<compile_context>
chip_gen: v7x
topology: tpu7x:2x2x1
jax: 0.10.2.dev20260603
libtpu: 0.0.44.dev20260713+nightly
codegen_flags: <defaults>
</compile_context>

<pallas_src>
import functools

import jax
import jax.numpy as jnp
from jax import lax
from jax.experimental import pallas as pl
from jax.experimental.pallas import tpu as pltpu
from jax.experimental.pallas import tpu_sc as plsc

_EMBED_DIM = 256
_N_CODES = 8192
_BATCH = 8
_TOKENS_PER_BATCH = 1024
_N_TOKENS = _BATCH * _TOKENS_PER_BATCH
_KBLK = 512
_N_KBLKS = _N_CODES // _KBLK
_BETA = 0.25


_WINDOWS = ((0, 4096), (4096, 8192))
_CHUNK = 1024


def _argmin_body(cb_ref, zr_ref, mi_ref):
    zb = zr_ref[0]
    h = zb * zb
    n = _EMBED_DIM
    while n > 1:
        n //= 2
        h = h[0:n, :] + h[n:2 * n, :]
    zn = h
    zb2 = (2.0 * zb).astype(jnp.bfloat16)
    carry_v = None
    carry_i = None
    for ws, we in _WINDOWS:
        wv = None
        wi = None
        s = ws
        while s < we:
            n = min(_CHUNK, we - s)
            cbc = cb_ref[pl.ds(s, n), :]
            cn = jnp.sum(cbc * cbc, axis=1, keepdims=True)
            mm = lax.dot_general(cbc.astype(jnp.bfloat16), zb2,
                                 (((1,), (0,)), ((), ())),
                                 preferred_element_type=jnp.float32)
            d = (zn + cn) - mm
            bmv = jnp.min(d, axis=0, keepdims=True)
            rows = lax.broadcasted_iota(jnp.int32, d.shape, 0)
            bmi = jnp.min(jnp.where(d == bmv, rows, jnp.int32(2**30)),
                          axis=0, keepdims=True) + s
            if wv is None:
                wv, wi = bmv, bmi
            else:
                take = bmv < wv
                wv = jnp.where(take, bmv, wv)
                wi = jnp.where(take, bmi, wi)
            s += n
        if carry_v is None:
            carry_v, carry_i = wv, wi
        else:
            take = wv < carry_v
            carry_v = jnp.where(take, wv, carry_v)
            carry_i = jnp.where(take, wi, carry_i)
        carry_v = carry_v.astype(jnp.bfloat16).astype(jnp.float32)
    mi_ref[0] = carry_i


def _argmin_call(codebook, zr):
    return pl.pallas_call(
        _argmin_body,
        grid=(_BATCH,),
        in_specs=[
            pl.BlockSpec((_N_CODES, _EMBED_DIM), lambda b: (0, 0)),
            pl.BlockSpec((1, _EMBED_DIM, _TOKENS_PER_BATCH),
                         lambda b: (b, 0, 0)),
        ],
        out_specs=[
            pl.BlockSpec((1, 1, _TOKENS_PER_BATCH), lambda b: (b, 0, 0)),
        ],
        out_shape=[
            jax.ShapeDtypeStruct((_BATCH, 1, _TOKENS_PER_BATCH), jnp.int32),
        ],
        compiler_params=pltpu.CompilerParams(
            dimension_semantics=("arbitrary",)),
    )(codebook, zr)


_SC_CORES = 2
_SC_SUBCORES = 16
_NW = _SC_CORES * _SC_SUBCORES
_ROWS_PER_W = _N_TOKENS // _NW
_GCHUNK = 128


@functools.cache
def _sc_gather_kernel():
    @functools.partial(
        pl.kernel,
        mesh=plsc.VectorSubcoreMesh(core_axis_name="c", subcore_axis_name="s"),
        out_type=jax.ShapeDtypeStruct((_N_TOKENS, _EMBED_DIM), jnp.float32),
        scratch_types=[
            pltpu.VMEM((_GCHUNK,), jnp.int32),
            pltpu.VMEM((_GCHUNK, _EMBED_DIM), jnp.float32),
            pltpu.SemaphoreType.DMA,
        ],
    )
    def _sc_gather(cb_hbm, idx_hbm, out_hbm, idx_v, rows_v, sem):
        wid = lax.axis_index("s") * _SC_CORES + lax.axis_index("c")
        base = wid * _ROWS_PER_W
        for c in range(_ROWS_PER_W // _GCHUNK):
            off = base + c * _GCHUNK
            pltpu.sync_copy(idx_hbm.at[pl.ds(off, _GCHUNK)], idx_v)
            pltpu.async_copy(cb_hbm.at[idx_v], rows_v, sem).wait()
            pltpu.sync_copy(rows_v, out_hbm.at[pl.ds(off, _GCHUNK)])

    return _sc_gather


def _assemble_body(zq_ref, zr_ref, out_ref, loss_ref):
    b = pl.program_id(0)
    zq_t = zq_ref[...].T
    zp = zr_ref[0]
    diff = zq_t - zp
    out_ref[0] = zp + diff
    part = jnp.sum(diff * diff)

    @pl.when(b == 0)
    def _():
        loss_ref[0, 0] = part

    @pl.when(b != 0)
    def _():
        loss_ref[0, 0] = loss_ref[0, 0] + part


def _assemble_call(zq, zr):
    return pl.pallas_call(
        _assemble_body,
        grid=(_BATCH,),
        in_specs=[
            pl.BlockSpec((_TOKENS_PER_BATCH, _EMBED_DIM), lambda b: (b, 0)),
            pl.BlockSpec((1, _EMBED_DIM, _TOKENS_PER_BATCH),
                         lambda b: (b, 0, 0)),
        ],
        out_specs=[
            pl.BlockSpec((1, _EMBED_DIM, _TOKENS_PER_BATCH),
                         lambda b: (b, 0, 0)),
            pl.BlockSpec((1, 1), lambda b: (0, 0),
                         memory_space=pltpu.SMEM),
        ],
        out_shape=[
            jax.ShapeDtypeStruct((_BATCH, _EMBED_DIM, _TOKENS_PER_BATCH),
                                 jnp.float32),
            jax.ShapeDtypeStruct((1, 1), jnp.float32),
        ],
        compiler_params=pltpu.CompilerParams(
            dimension_semantics=("arbitrary",)),
    )(zq, zr)


def kernel(z, codebook):
    zr = z.reshape(_BATCH, _EMBED_DIM, _TOKENS_PER_BATCH)
    (mi,) = _argmin_call(codebook, zr)
    idx = mi.reshape(_N_TOKENS)
    zq = _sc_gather_kernel()(codebook, idx)
    out3, loss_raw = _assemble_call(zq, zr)
    out = out3.reshape(z.shape)
    loss = (loss_raw * jnp.float32((1.0 + _BETA) / (_N_TOKENS * _EMBED_DIM))
            ).reshape(())
    return out, loss, idx

# --- scband reference (transcript-rebuilt; emitter-appended) ---
"""Pipeline reference for scband-vector-quantizer-26439818674354 (READ-ONLY COPY).

The authoritative reference and input builder live on the scoring server;
editing this copy changes nothing except your own understanding.
"""

import jax, jax.numpy as jnp
import numpy as np

EMBED_DIM = 256
N_EMBED = 8192
BETA = 0.25

def setup_inputs(seed: int = 0) -> dict:
    key = jax.random.key(seed)
    k1, k2 = jax.random.split(key)
    z = jax.random.normal(k1, (8, 256, 32, 32), dtype=jnp.float32)
    codebook = jax.random.uniform(k2, (N_EMBED, EMBED_DIM), dtype=jnp.float32,
                                  minval=-1.0 / N_EMBED, maxval=1.0 / N_EMBED)
    return {"z": z, "codebook": codebook}

def reference(z, codebook):
    # b c h w -> b h w c
    zp = jnp.transpose(z, (0, 2, 3, 1))
    zf = zp.reshape(-1, EMBED_DIM)
    d = (jnp.sum(zf ** 2, axis=1, keepdims=True)
         + jnp.sum(codebook ** 2, axis=1)
         - 2.0 * zf @ codebook.T)
    min_encoding_indices = jnp.argmin(d, axis=1)
    z_q = jnp.take(codebook, min_encoding_indices, axis=0).reshape(zp.shape)
    sg = jax.lax.stop_gradient
    # LEGACY=True branch
    loss = jnp.mean((sg(z_q) - zp) ** 2) + BETA * jnp.mean((z_q - sg(zp)) ** 2)
    # straight-through estimator
    z_q_st = zp + sg(z_q - zp)
    out = jnp.transpose(z_q_st, (0, 3, 1, 2))
    return (out, loss, min_encoding_indices)

if __name__ == "__main__":
    import jax
    _d = setup_inputs()
    print(jax.jit(kernel)(*tuple(_d.values())))

</pallas_src>

<mosaic_0001>
#map = affine_map<(d0, d1) -> (0, 0)>
#map1 = affine_map<(d0, d1) -> (0)>
module attributes {stable_mosaic.version = 14 : i64} {
  func.func @_sc_gather(%arg0: i32, %arg1: i32, %arg2: memref<8192x256xf32, #tpu.memory_space<hbm>>, %arg3: memref<8192xi32, #tpu.memory_space<hbm>>, %arg4: memref<8192x256xf32, #tpu.memory_space<hbm>>, %arg5: memref<128xi32, #tpu.memory_space<vmem>>, %arg6: memref<128x256xf32, #tpu.memory_space<vmem>>, %arg7: memref<!tpu.dma_semaphore, #tpu.memory_space<semaphore_mem>>) attributes {dimension_semantics = [#tpu.dimension_semantics<core_parallel>, #tpu.dimension_semantics<subcore_parallel>], iteration_bounds = array<i64: 2, 16>, scalar_prefetch = 0 : i64, scratch_operands = 3 : i64, tpu.core_type = #tpu.core_type<sc_vector_subcore>, window_params = [{transform_indices = #map}, {transform_indices = #map1}, {transform_indices = #map}]} {
    %mul3A = arith.constant 2 : i32
    %mul3A_0 = arith.muli %arg1, %mul3A : i32
    %add3A = arith.addi %mul3A_0, %arg0 : i32
    %mul3A_1 = arith.constant 256 : i32
    %mul3A_2 = arith.muli %add3A, %mul3A_1 : i32
    %add3A_3 = arith.constant 0 : i32
    %add3A_4 = arith.addi %mul3A_2, %add3A_3 : i32
    "tpu.region"() ({
      %run_scoped3A = tpu.sem_alloc : memref<!tpu.dma_semaphore, #tpu.memory_space<semaphore_mem>>
      %dma_start3A_17 = tpu.memref_slice %arg3[%add3A_4] : memref<8192xi32, #tpu.memory_space<hbm>> -> memref<128xi32, #tpu.memory_space<hbm>>
      %dma_start3A_18 = tpu.memref_slice %arg3[%add3A_4] : memref<8192xi32, #tpu.memory_space<hbm>> -> memref<128xi32, #tpu.memory_space<hbm>>
      tpu.enqueue_dma source(%dma_start3A_18 : memref<128xi32, #tpu.memory_space<hbm>>) target(%arg5 : memref<128xi32, #tpu.memory_space<vmem>>) target_semaphore(%run_scoped3A : memref<!tpu.dma_semaphore, #tpu.memory_space<semaphore_mem>>)
      %dma_wait3A_19 = tpu.memref_slice %arg3[%add3A_4] : memref<8192xi32, #tpu.memory_space<hbm>> -> memref<128xi32, #tpu.memory_space<hbm>>
      %dma_wait3A_20 = tpu.memref_slice %arg3[%add3A_4] : memref<8192xi32, #tpu.memory_space<hbm>> -> memref<128xi32, #tpu.memory_space<hbm>>
      tpu.wait_dma2 semaphore(%run_scoped3A : memref<!tpu.dma_semaphore, #tpu.memory_space<semaphore_mem>>) src(%dma_wait3A_20 : memref<128xi32, #tpu.memory_space<hbm>>) dst(%arg5 : memref<128xi32, #tpu.memory_space<vmem>>)
      tpu.yield
    }) : () -> ()
    %dma_start3A = arith.constant 0 : i32
    %dma_start3A_5 = arith.constant 0 : i32
    %dma_start3A_6 = tpu.memref_slice %arg2[%dma_start3A, %dma_start3A_5] : memref<8192x256xf32, #tpu.memory_space<hbm>> -> memref<8192x256xf32, #tpu.memory_space<hbm>>
    tpu.enqueue_indirect_dma source(%dma_start3A_6 : memref<8192x256xf32, #tpu.memory_space<hbm>>) target(%arg6 : memref<128x256xf32, #tpu.memory_space<vmem>>) offsets(%arg5 : memref<128xi32, #tpu.memory_space<vmem>>) semaphore(%arg7 : memref<!tpu.dma_semaphore, #tpu.memory_space<semaphore_mem>>)
    %dma_wait3A = arith.constant 0 : i32
    %dma_wait3A_7 = arith.constant 0 : i32
    %dma_wait3A_8 = tpu.memref_slice %arg2[%dma_wait3A, %dma_wait3A_7] : memref<8192x256xf32, #tpu.memory_space<hbm>> -> memref<8192x256xf32, #tpu.memory_space<hbm>>
    tpu.wait_indirect_dma semaphore(%arg7 : memref<!tpu.dma_semaphore, #tpu.memory_space<semaphore_mem>>) src(%dma_wait3A_8 : memref<8192x256xf32, #tpu.memory_space<hbm>>) dst(%arg6 : memref<128x256xf32, #tpu.memory_space<vmem>>)
    "tpu.region"() ({
      %run_scoped3A = tpu.sem_alloc : memref<!tpu.dma_semaphore, #tpu.memory_space<semaphore_mem>>
      %dma_start3A_17 = arith.constant 0 : i32
      %dma_start3A_18 = tpu.memref_slice %arg4[%add3A_4, %dma_start3A_17] : memref<8192x256xf32, #tpu.memory_space<hbm>> -> memref<128x256xf32, #tpu.memory_space<hbm>>
      %dma_start3A_19 = arith.constant 0 : i32
      %dma_start3A_20 = tpu.memref_slice %arg4[%add3A_4, %dma_start3A_19] : memref<8192x256xf32, #tpu.memory_space<hbm>> -> memref<128x256xf32, #tpu.memory_space<hbm>>
      tpu.enqueue_dma source(%arg6 : memref<128x256xf32, #tpu.memory_space<vmem>>) target(%dma_start3A_20 : memref<128x256xf32, #tpu.memory_space<hbm>>) target_semaphore(%run_scoped3A : memref<!tpu.dma_semaphore, #tpu.memory_space<semaphore_mem>>)
      %dma_wait3A_21 = arith.constant 0 : i32
      %dma_wait3A_22 = tpu.memref_slice %arg4[%add3A_4, %dma_wait3A_21] : memref<8192x256xf32, #tpu.memory_space<hbm>> -> memref<128x256xf32, #tpu.memory_space<hbm>>
      %dma_wait3A_23 = arith.constant 0 : i32
      %dma_wait3A_24 = tpu.memref_slice %arg4[%add3A_4, %dma_wait3A_23] : memref<8192x256xf32, #tpu.memory_space<hbm>> -> memref<128x256xf32, #tpu.memory_space<hbm>>
      tpu.wait_dma2 semaphore(%run_scoped3A : memref<!tpu.dma_semaphore, #tpu.memory_space<semaphore_mem>>) src(%arg6 : memref<128x256xf32, #tpu.memory_space<vmem>>) dst(%dma_wait3A_24 : memref<128x256xf32, #tpu.memory_space<hbm>>)
      tpu.yield
    }) : () -> ()
    %add3A_9 = arith.constant 128 : i32
    %add3A_10 = arith.addi %mul3A_2, %add3A_9 : i32
    "tpu.region"() ({
      %run_scoped3A = tpu.sem_alloc : memref<!tpu.dma_semaphore, #tpu.memory_space<semaphore_mem>>
      %dma_start3A_17 = tpu.memref_slice %arg3[%add3A_10] : memref<8192xi32, #tpu.memory_space<hbm>> -> memref<128xi32, #tpu.memory_space<hbm>>
      %dma_start3A_18 = tpu.memref_slice %arg3[%add3A_10] : memref<8192xi32, #tpu.memory_space<hbm>> -> memref<128xi32, #tpu.memory_space<hbm>>
      tpu.enqueue_dma source(%dma_start3A_18 : memref<128xi32, #tpu.memory_space<hbm>>) target(%arg5 : memref<128xi32, #tpu.memory_space<vmem>>) target_semaphore(%run_scoped3A : memref<!tpu.dma_semaphore, #tpu.memory_space<semaphore_mem>>)
      %dma_wait3A_19 = tpu.memref_slice %arg3[%add3A_10] : memref<8192xi32, #tpu.memory_space<hbm>> -> memref<128xi32, #tpu.memory_space<hbm>>
      %dma_wait3A_20 = tpu.memref_slice %arg3[%add3A_10] : memref<8192xi32, #tpu.memory_space<hbm>> -> memref<128xi32, #tpu.memory_space<hbm>>
      tpu.wait_dma2 semaphore(%run_scoped3A : memref<!tpu.dma_semaphore, #tpu.memory_space<semaphore_mem>>) src(%dma_wait3A_20 : memref<128xi32, #tpu.memory_space<hbm>>) dst(%arg5 : memref<128xi32, #tpu.memory_space<vmem>>)
      tpu.yield
    }) : () -> ()
    %dma_start3A_11 = arith.constant 0 : i32
    %dma_start3A_12 = arith.constant 0 : i32
    %dma_start3A_13 = tpu.memref_slice %arg2[%dma_start3A_11, %dma_start3A_12] : memref<8192x256xf32, #tpu.memory_space<hbm>> -> memref<8192x256xf32, #tpu.memory_space<hbm>>
    tpu.enqueue_indirect_dma source(%dma_start3A_13 : memref<8192x256xf32, #tpu.memory_space<hbm>>) target(%arg6 : memref<128x256xf32, #tpu.memory_space<vmem>>) offsets(%arg5 : memref<128xi32, #tpu.memory_space<vmem>>) semaphore(%arg7 : memref<!tpu.dma_semaphore, #tpu.memory_space<semaphore_mem>>)
    %dma_wait3A_14 = arith.constant 0 : i32
    %dma_wait3A_15 = arith.constant 0 : i32
    %dma_wait3A_16 = tpu.memref_slice %arg2[%dma_wait3A_14, %dma_wait3A_15] : memref<8192x256xf32, #tpu.memory_space<hbm>> -> memref<8192x256xf32, #tpu.memory_space<hbm>>
    tpu.wait_indirect_dma semaphore(%arg7 : memref<!tpu.dma_semaphore, #tpu.memory_space<semaphore_mem>>) src(%dma_wait3A_16 : memref<8192x256xf32, #tpu.memory_space<hbm>>) dst(%arg6 : memref<128x256xf32, #tpu.memory_space<vmem>>)
    "tpu.region"() ({
      %run_scoped3A = tpu.sem_alloc : memref<!tpu.dma_semaphore, #tpu.memory_space<semaphore_mem>>
      %dma_start3A_17 = arith.constant 0 : i32
      %dma_start3A_18 = tpu.memref_slice %arg4[%add3A_10, %dma_start3A_17] : memref<8192x256xf32, #tpu.memory_space<hbm>> -> memref<128x256xf32, #tpu.memory_space<hbm>>
      %dma_start3A_19 = arith.constant 0 : i32
      %dma_start3A_20 = tpu.memref_slice %arg4[%add3A_10, %dma_start3A_19] : memref<8192x256xf32, #tpu.memory_space<hbm>> -> memref<128x256xf32, #tpu.memory_space<hbm>>
      tpu.enqueue_dma source(%arg6 : memref<128x256xf32, #tpu.memory_space<vmem>>) target(%dma_start3A_20 : memref<128x256xf32, #tpu.memory_space<hbm>>) target_semaphore(%run_scoped3A : memref<!tpu.dma_semaphore, #tpu.memory_space<semaphore_mem>>)
      %dma_wait3A_21 = arith.constant 0 : i32
      %dma_wait3A_22 = tpu.memref_slice %arg4[%add3A_10, %dma_wait3A_21] : memref<8192x256xf32, #tpu.memory_space<hbm>> -> memref<128x256xf32, #tpu.memory_space<hbm>>
      %dma_wait3A_23 = arith.constant 0 : i32
      %dma_wait3A_24 = tpu.memref_slice %arg4[%add3A_10, %dma_wait3A_23] : memref<8192x256xf32, #tpu.memory_space<hbm>> -> memref<128x256xf32, #tpu.memory_space<hbm>>
      tpu.wait_dma2 semaphore(%run_scoped3A : memref<!tpu.dma_semaphore, #tpu.memory_space<semaphore_mem>>) src(%arg6 : memref<128x256xf32, #tpu.memory_space<vmem>>) dst(%dma_wait3A_24 : memref<128x256xf32, #tpu.memory_space<hbm>>)
      tpu.yield
    }) : () -> ()
    return
  }
}

module attributes {stable_mosaic.version = 14 : i64} {
  func.func @_assemble_body(%arg0: i32, %arg1: memref<1024x256xf32, #tpu.memory_space<vmem>>, %arg2: memref<1x256x1024xf32, #tpu.memory_space<vmem>>, %arg3: memref<1x256x1024xf32, #tpu.memory_space<vmem>>, %arg4: memref<1x1xf32, #tpu.memory_space<smem>>) attributes {dimension_semantics = [#tpu.dimension_semantics<arbitrary>], iteration_bounds = array<i64: 8>, scalar_prefetch = 0 : i64, scratch_operands = 0 : i64, tpu.core_type = #tpu.core_type<tc>, window_params = [{transform_indices = @transform_0, window_bounds = array<i64: 1024, 256>}, {transform_indices = @transform_1, window_bounds = array<i64: 1, 256, 1024>}, {transform_indices = @transform_2, window_bounds = array<i64: 1, 256, 1024>}, {transform_indices = @transform_3, window_bounds = array<i64: 1, 1>}]} {
    %get3A = arith.constant 0 : index
    %get3A_0 = arith.constant 0 : index
    %get3A_1 = vector.load %arg1[%get3A, %get3A_0] : memref<1024x256xf32, #tpu.memory_space<vmem>>, vector<1024x256xf32>
    %transpose3A = tpu.transpose %get3A_1, [1, 0] : vector<1024x256xf32> -> vector<256x1024xf32>
    %get3A_2 = arith.constant 0 : index
    %get3A_3 = arith.constant 0 : index
    %get3A_4 = arith.constant 0 : index
    %get3A_5 = vector.load %arg2[%get3A_2, %get3A_3, %get3A_4] : memref<1x256x1024xf32, #tpu.memory_space<vmem>>, vector<1x256x1024xf32>
    %get3A_6 = vector.shape_cast %get3A_5 : vector<1x256x1024xf32> to vector<256x1024xf32>
    %sub3A = arith.subf %transpose3A, %get3A_6 : vector<256x1024xf32>
    %add3A = arith.addf %get3A_6, %sub3A : vector<256x1024xf32>
    %swap3A = arith.constant 0 : index
    %swap3A_7 = arith.constant 0 : index
    %swap3A_8 = arith.constant 0 : index
    %swap3A_9 = vector.load %arg3[%swap3A, %swap3A_7, %swap3A_8] : memref<1x256x1024xf32, #tpu.memory_space<vmem>>, vector<1x256x1024xf32>
    %swap3A_10 = vector.shape_cast %swap3A_9 : vector<1x256x1024xf32> to vector<256x1024xf32>
    %swap3A_11 = vector.shape_cast %add3A : vector<256x1024xf32> to vector<1x256x1024xf32>
    tpu.vector_store %arg3[%swap3A, %swap3A_7, %swap3A_8], %swap3A_11 {strides = array<i32>} : memref<1x256x1024xf32, #tpu.memory_space<vmem>>, vector<1x256x1024xf32>,
    %mul3A = arith.mulf %sub3A, %sub3A : vector<256x1024xf32>
    %reduce_sum3A = vector.shape_cast %mul3A : vector<256x1024xf32> to vector<1x256x1024xf32>
    %reduce_sum3A_12 = arith.constant dense<0.000000e+00> : vector<1xf32>
    %reduce_sum3A_13 = vector.multi_reduction <add>, %reduce_sum3A, %reduce_sum3A_12 [1, 2] : vector<1x256x1024xf32> to vector<1xf32>
    %reduce_sum3A_14 = vector.shape_cast %reduce_sum3A_13 : vector<1xf32> to vector<1x1x1xf32>
    %reduce_sum3A_15 = vector.extract %reduce_sum3A_14[0, 0, 0] : f32 from vector<1x1x1xf32>
    %eq3A = arith.constant 0 : i32
    %eq3A_16 = arith.cmpi eq, %arg0, %eq3A : i32
    %convert_element_type3A = arith.extui %eq3A_16 : i1 to i32
    %cond3A = arith.constant 0 : i32
    %cond3A_17 = arith.cmpi ne, %convert_element_type3A, %cond3A : i32
    scf.if %cond3A_17 {
      %swap3A_22 = arith.constant 0 : index
      %swap3A_23 = arith.constant 0 : index
      %swap3A_24 = memref.load %arg4[%swap3A_22, %swap3A_23] : memref<1x1xf32, #tpu.memory_space<smem>>
      memref.store %reduce_sum3A_15, %arg4[%swap3A_22, %swap3A_23] : memref<1x1xf32, #tpu.memory_space<smem>>
    } else {
    }
    %ne3A = arith.constant 0 : i32
    %ne3A_18 = arith.cmpi ne, %arg0, %ne3A : i32
    %convert_element_type3A_19 = arith.extui %ne3A_18 : i1 to i32
    %cond3A_20 = arith.constant 0 : i32
    %cond3A_21 = arith.cmpi ne, %convert_element_type3A_19, %cond3A_20 : i32
    scf.if %cond3A_21 {
      %get3A_22 = arith.constant 0 : index
      %get3A_23 = arith.constant 0 : index
      %get3A_24 = memref.load %arg4[%get3A_22, %get3A_23] : memref<1x1xf32, #tpu.memory_space<smem>>
      %add3A_25 = arith.addf %get3A_24, %reduce_sum3A_15 : f32
      %swap3A_26 = arith.constant 0 : index
      %swap3A_27 = arith.constant 0 : index
      %swap3A_28 = memref.load %arg4[%swap3A_26, %swap3A_27] : memref<1x1xf32, #tpu.memory_space<smem>>
      memref.store %add3A_25, %arg4[%swap3A_26, %swap3A_27] : memref<1x1xf32, #tpu.memory_space<smem>>
    } else {
    }
    return
  }
  func.func @transform_0(%arg0: i32) -> (i32, i32) {
    %c0_i32 = arith.constant 0 : i32
    %c0_i32_0 = arith.constant 0 : i32
    return %arg0, %c0_i32 : i32, i32
  }
  func.func @transform_1(%arg0: i32) -> (i32, i32, i32) {
    %c0_i32 = arith.constant 0 : i32
    %c0_i32_0 = arith.constant 0 : i32
    %c0_i32_1 = arith.constant 0 : i32
    return %arg0, %c0_i32, %c0_i32_0 : i32, i32, i32
  }
  func.func @transform_2(%arg0: i32) -> (i32, i32, i32) {
    %c0_i32 = arith.constant 0 : i32
    %c0_i32_0 = arith.constant 0 : i32
    %c0_i32_1 = arith.constant 0 : i32
    return %arg0, %c0_i32, %c0_i32_0 : i32, i32, i32
  }
  func.func @transform_3(%arg0: i32) -> (i32, i32) {
    %c0_i32 = arith.constant 0 : i32
    %c0_i32_0 = arith.constant 0 : i32
    %c0_i32_1 = arith.constant 0 : i32
    return %c0_i32, %c0_i32_0 : i32, i32
  }
}

module attributes {stable_mosaic.version = 14 : i64} {
  func.func @_argmin_body(%arg0: i32, %arg1: memref<8192x256xf32, #tpu.memory_space<vmem>>, %arg2: memref<1x256x1024xf32, #tpu.memory_space<vmem>>, %arg3: memref<1x1x1024xi32, #tpu.memory_space<vmem>>) attributes {dimension_semantics = [#tpu.dimension_semantics<arbitrary>], iteration_bounds = array<i64: 8>, scalar_prefetch = 0 : i64, scratch_operands = 0 : i64, tpu.core_type = #tpu.core_type<tc>, window_params = [{pipeline_mode = #tpu.pipeline_mode<synchronous>, transform_indices = @transform_0, window_bounds = array<i64: 8192, 256>}, {transform_indices = @transform_1, window_bounds = array<i64: 1, 256, 1024>}, {transform_indices = @transform_2, window_bounds = array<i64: 1, 1, 1024>}]} {
    %get3A = arith.constant 0 : index
    %get3A_0 = arith.constant 0 : index
    %get3A_1 = arith.constant 0 : index
    %get3A_2 = vector.load %arg2[%get3A, %get3A_0, %get3A_1] : memref<1x256x1024xf32, #tpu.memory_space<vmem>>, vector<1x256x1024xf32>
    %get3A_3 = vector.shape_cast %get3A_2 : vector<1x256x1024xf32> to vector<256x1024xf32>
    %mul3A = arith.mulf %get3A_3, %get3A_3 : vector<256x1024xf32>
    %slice3A = vector.extract_strided_slice %mul3A {offsets = [0, 0], sizes = [128, 1024], strides = [1, 1]} : vector<256x1024xf32> to vector<128x1024xf32>
    %slice3A_4 = vector.extract_strided_slice %mul3A {offsets = [128, 0], sizes = [128, 1024], strides = [1, 1]} : vector<256x1024xf32> to vector<128x1024xf32>
    %add3A = arith.addf %slice3A, %slice3A_4 : vector<128x1024xf32>
    %slice3A_5 = vector.extract_strided_slice %add3A {offsets = [0, 0], sizes = [64, 1024], strides = [1, 1]} : vector<128x1024xf32> to vector<64x1024xf32>
    %slice3A_6 = vector.extract_strided_slice %add3A {offsets = [64, 0], sizes = [64, 1024], strides = [1, 1]} : vector<128x1024xf32> to vector<64x1024xf32>
    %add3A_7 = arith.addf %slice3A_5, %slice3A_6 : vector<64x1024xf32>
    %slice3A_8 = vector.extract_strided_slice %add3A_7 {offsets = [0, 0], sizes = [32, 1024], strides = [1, 1]} : vector<64x1024xf32> to vector<32x1024xf32>
    %slice3A_9 = vector.extract_strided_slice %add3A_7 {offsets = [32, 0], sizes = [32, 1024], strides = [1, 1]} : vector<64x1024xf32> to vector<32x1024xf32>
    %add3A_10 = arith.addf %slice3A_8, %slice3A_9 : vector<32x1024xf32>
    %slice3A_11 = vector.extract_strided_slice %add3A_10 {offsets = [0, 0], sizes = [16, 1024], strides = [1, 1]} : vector<32x1024xf32> to vector<16x1024xf32>
    %slice3A_12 = vector.extract_strided_slice %add3A_10 {offsets = [16, 0], sizes = [16, 1024], strides = [1, 1]} : vector<32x1024xf32> to vector<16x1024xf32>
    %add3A_13 = arith.addf %slice3A_11, %slice3A_12 : vector<16x1024xf32>
    %slice3A_14 = vector.extract_strided_slice %add3A_13 {offsets = [0, 0], sizes = [8, 1024], strides = [1, 1]} : vector<16x1024xf32> to vector<8x1024xf32>
    %slice3A_15 = vector.extract_strided_slice %add3A_13 {offsets = [8, 0], sizes = [8, 1024], strides = [1, 1]} : vector<16x1024xf32> to vector<8x1024xf32>
    %add3A_16 = arith.addf %slice3A_14, %slice3A_15 : vector<8x1024xf32>
    %slice3A_17 = vector.extract_strided_slice %add3A_16 {offsets = [0, 0], sizes = [4, 1024], strides = [1, 1]} : vector<8x1024xf32> to vector<4x1024xf32>
    %slice3A_18 = vector.extract_strided_slice %add3A_16 {offsets = [4, 0], sizes = [4, 1024], strides = [1, 1]} : vector<8x1024xf32> to vector<4x1024xf32>
    %add3A_19 = arith.addf %slice3A_17, %slice3A_18 : vector<4x1024xf32>
    %slice3A_20 = vector.extract_strided_slice %add3A_19 {offsets = [0, 0], sizes = [2, 1024], strides = [1, 1]} : vector<4x1024xf32> to vector<2x1024xf32>
    %slice3A_21 = vector.extract_strided_slice %add3A_19 {offsets = [2, 0], sizes = [2, 1024], strides = [1, 1]} : vector<4x1024xf32> to vector<2x1024xf32>
    %add3A_22 = arith.addf %slice3A_20, %slice3A_21 : vector<2x1024xf32>
    %slice3A_23 = vector.extract_strided_slice %add3A_22 {offsets = [0, 0], sizes = [1, 1024], strides = [1, 1]} : vector<2x1024xf32> to vector<1x1024xf32>
    %slice3A_24 = vector.extract_strided_slice %add3A_22 {offsets = [1, 0], sizes = [1, 1024], strides = [1, 1]} : vector<2x1024xf32> to vector<1x1024xf32>
    %add3A_25 = arith.addf %slice3A_23, %slice3A_24 : vector<1x1024xf32>
    %mul3A_26 = arith.constant 2.000000e+00 : f32
    %mul3A_27 = vector.broadcast %mul3A_26 : f32 to vector<256x1024xf32>
    %mul3A_28 = arith.mulf %mul3A_27, %get3A_3 : vector<256x1024xf32>
    %convert_element_type3A = arith.truncf %mul3A_28 : vector<256x1024xf32> to vector<256x1024xbf16>
    %get3A_29 = arith.constant 0 : index
    %get3A_30 = arith.constant 0 : index
    %get3A_31 = vector.load %arg1[%get3A_29, %get3A_30] : memref<8192x256xf32, #tpu.memory_space<vmem>>, vector<1024x256xf32>
    %mul3A_32 = arith.mulf %get3A_31, %get3A_31 : vector<1024x256xf32>
    %reduce_sum3A = arith.constant dense<0.000000e+00> : vector<1024xf32>
    %reduce_sum3A_33 = vector.multi_reduction <add>, %mul3A_32, %reduce_sum3A [1] : vector<1024x256xf32> to vector<1024xf32>
    %broadcast_in_dim3A = vector.shape_cast %reduce_sum3A_33 : vector<1024xf32> to vector<1024x1xf32>
    %convert_element_type3A_34 = arith.truncf %get3A_31 : vector<1024x256xf32> to vector<1024x256xbf16>
    %dot_general3A = arith.constant dense<0.000000e+00> : vector<1024x1024xf32>
    %dot_general3A_35 = tpu.matmul %convert_element_type3A_34, %convert_element_type3A, %dot_general3A {dimension_numbers = #tpu.dot_dimension_numbers<[1], [0], [0], [1], [0, 0, 1, 1], [], []>, transpose_lhs_hint = false} : vector<1024x256xbf16>, vector<256x1024xbf16>, vector<1024x1024xf32> -> vector<1024x1024xf32>
    %add3A_36 = vector.broadcast %add3A_25 : vector<1x1024xf32> to vector<1024x1024xf32>
    %add3A_37 = vector.broadcast %broadcast_in_dim3A : vector<1024x1xf32> to vector<1024x1024xf32>
    %add3A_38 = arith.addf %add3A_36, %add3A_37 : vector<1024x1024xf32>
    %sub3A = arith.subf %add3A_38, %dot_general3A_35 : vector<1024x1024xf32>
    %reduce_min3A = arith.constant dense<0x7F800000> : vector<1024xf32>
    %reduce_min3A_39 = vector.multi_reduction <minimumf>, %sub3A, %reduce_min3A [0] : vector<1024x1024xf32> to vector<1024xf32>
    %broadcast_in_dim3A_40 = vector.shape_cast %reduce_min3A_39 : vector<1024xf32> to vector<1x1024xf32>
    %iota3A = tpu.iota {dimensions = array<i32: 0>} : vector<1024x1024xi32>
    %eq3A = vector.broadcast %broadcast_in_dim3A_40 : vector<1x1024xf32> to vector<1024x1024xf32>
    %eq3A_41 = arith.cmpf oeq, %sub3A, %eq3A : vector<1024x1024xf32>
    %jit3A = arith.constant 1073741824 : i32
    %broadcast_in_dim3A_42 = vector.broadcast %jit3A : i32 to vector<1024x1024xi32>
    %select_n3A = arith.select %eq3A_41, %iota3A, %broadcast_in_dim3A_42 : vector<1024x1024xi1>, vector<1024x1024xi32>
    %reduce_min3A_43 = arith.constant dense<2147483647> : vector<1024xi32>
    %reduce_min3A_44 = vector.multi_reduction <minsi>, %select_n3A, %reduce_min3A_43 [0] : vector<1024x1024xi32> to vector<1024xi32>
    %broadcast_in_dim3A_45 = vector.shape_cast %reduce_min3A_44 : vector<1024xi32> to vector<1x1024xi32>
    %add3A_46 = arith.constant 0 : i32
    %add3A_47 = vector.broadcast %add3A_46 : i32 to vector<1x1024xi32>
    %add3A_48 = arith.addi %broadcast_in_dim3A_45, %add3A_47 : vector<1x1024xi32>
    %get3A_49 = arith.constant 1024 : index
    %get3A_50 = arith.constant 0 : index
    %get3A_51 = vector.load %arg1[%get3A_49, %get3A_50] : memref<8192x256xf32, #tpu.memory_space<vmem>>, vector<1024x256xf32>
    %mul3A_52 = arith.mulf %get3A_51, %get3A_51 : vector<1024x256xf32>
    %reduce_sum3A_53 = arith.constant dense<0.000000e+00> : vector<1024xf32>
    %reduce_sum3A_54 = vector.multi_reduction <add>, %mul3A_52, %reduce_sum3A_53 [1] : vector<1024x256xf32> to vector<1024xf32>
    %broadcast_in_dim3A_55 = vector.shape_cast %reduce_sum3A_54 : vector<1024xf32> to vector<1024x1xf32>
    %convert_element_type3A_56 = arith.truncf %get3A_51 : vector<1024x256xf32> to vector<1024x256xbf16>
    %dot_general3A_57 = arith.constant dense<0.000000e+00> : vector<1024x1024xf32>
    %dot_general3A_58 = tpu.matmul %convert_element_type3A_56, %convert_element_type3A, %dot_general3A_57 {dimension_numbers = #tpu.dot_dimension_numbers<[1], [0], [0], [1], [0, 0, 1, 1], [], []>, transpose_lhs_hint = false} : vector<1024x256xbf16>, vector<256x1024xbf16>, vector<1024x1024xf32> -> vector<1024x1024xf32>
    %add3A_59 = vector.broadcast %add3A_25 : vector<1x1024xf32> to vector<1024x1024xf32>
    %add3A_60 = vector.broadcast %broadcast_in_dim3A_55 : vector<1024x1xf32> to vector<1024x1024xf32>
    %add3A_61 = arith.addf %add3A_59, %add3A_60 : vector<1024x1024xf32>
    %sub3A_62 = arith.subf %add3A_61, %dot_general3A_58 : vector<1024x1024xf32>
    %reduce_min3A_63 = arith.constant dense<0x7F800000> : vector<1024xf32>
    %reduce_min3A_64 = vector.multi_reduction <minimumf>, %sub3A_62, %reduce_min3A_63 [0] : vector<1024x1024xf32> to vector<1024xf32>
    %broadcast_in_dim3A_65 = vector.shape_cast %reduce_min3A_64 : vector<1024xf32> to vector<1x1024xf32>
    %iota3A_66 = tpu.iota {dimensions = array<i32: 0>} : vector<1024x1024xi32>
    %eq3A_67 = vector.broadcast %broadcast_in_dim3A_65 : vector<1x1024xf32> to vector<1024x1024xf32>
    %eq3A_68 = arith.cmpf oeq, %sub3A_62, %eq3A_67 : vector<1024x1024xf32>
    %jit3A_69 = arith.constant 1073741824 : i32
    %broadcast_in_dim3A_70 = vector.broadcast %jit3A_69 : i32 to vector<1024x1024xi32>
    %select_n3A_71 = arith.select %eq3A_68, %iota3A_66, %broadcast_in_dim3A_70 : vector<1024x1024xi1>, vector<1024x1024xi32>
    %reduce_min3A_72 = arith.constant dense<2147483647> : vector<1024xi32>
    %reduce_min3A_73 = vector.multi_reduction <minsi>, %select_n3A_71, %reduce_min3A_72 [0] : vector<1024x1024xi32> to vector<1024xi32>
    %broadcast_in_dim3A_74 = vector.shape_cast %reduce_min3A_73 : vector<1024xi32> to vector<1x1024xi32>
    %add3A_75 = arith.constant 1024 : i32
    %add3A_76 = vector.broadcast %add3A_75 : i32 to vector<1x1024xi32>
    %add3A_77 = arith.addi %broadcast_in_dim3A_74, %add3A_76 : vector<1x1024xi32>
    %lt3A = arith.cmpf olt, %broadcast_in_dim3A_65, %broadcast_in_dim3A_40 : vector<1x1024xf32>
    %select_n3A_78 = arith.select %lt3A, %broadcast_in_dim3A_65, %broadcast_in_dim3A_40 : vector<1x1024xi1>, vector<1x1024xf32>
    %select_n3A_79 = arith.select %lt3A, %add3A_77, %add3A_48 : vector<1x1024xi1>, vector<1x1024xi32>
    %get3A_80 = arith.constant 2048 : index
    %get3A_81 = arith.constant 0 : index
    %get3A_82 = vector.load %arg1[%get3A_80, %get3A_81] : memref<8192x256xf32, #tpu.memory_space<vmem>>, vector<1024x256xf32>
    %mul3A_83 = arith.mulf %get3A_82, %get3A_82 : vector<1024x256xf32>
    %reduce_sum3A_84 = arith.constant dense<0.000000e+00> : vector<1024xf32>
    %reduce_sum3A_85 = vector.multi_reduction <add>, %mul3A_83, %reduce_sum3A_84 [1] : vector<1024x256xf32> to vector<1024xf32>
    %broadcast_in_dim3A_86 = vector.shape_cast %reduce_sum3A_85 : vector<1024xf32> to vector<1024x1xf32>
    %convert_element_type3A_87 = arith.truncf %get3A_82 : vector<1024x256xf32> to vector<1024x256xbf16>
    %dot_general3A_88 = arith.constant dense<0.000000e+00> : vector<1024x1024xf32>
    %dot_general3A_89 = tpu.matmul %convert_element_type3A_87, %convert_element_type3A, %dot_general3A_88 {dimension_numbers = #tpu.dot_dimension_numbers<[1], [0], [0], [1], [0, 0, 1, 1], [], []>, transpose_lhs_hint = false} : vector<1024x256xbf16>, vector<256x1024xbf16>, vector<1024x1024xf32> -> vector<1024x1024xf32>
    %add3A_90 = vector.broadcast %add3A_25 : vector<1x1024xf32> to vector<1024x1024xf32>
    %add3A_91 = vector.broadcast %broadcast_in_dim3A_86 : vector<1024x1xf32> to vector<1024x1024xf32>
    %add3A_92 = arith.addf %add3A_90, %add3A_91 : vector<1024x1024xf32>
    %sub3A_93 = arith.subf %add3A_92, %dot_general3A_89 : vector<1024x1024xf32>
    %reduce_min3A_94 = arith.constant dense<0x7F800000> : vector<1024xf32>
    %reduce_min3A_95 = vector.multi_reduction <minimumf>, %sub3A_93, %reduce_min3A_94 [0] : vector<1024x1024xf32> to vector<1024xf32>
    %broadcast_in_dim3A_96 = vector.shape_cast %reduce_min3A_95 : vector<1024xf32> to vector<1x1024xf32>
    %iota3A_97 = tpu.iota {dimensions = array<i32: 0>} : vector<1024x1024xi32>
    %eq3A_98 = vector.broadcast %broadcast_in_dim3A_96 : vector<1x1024xf32> to vector<1024x1024xf32>
    %eq3A_99 = arith.cmpf oeq, %sub3A_93, %eq3A_98 : vector<1024x1024xf32>
    %jit3A_100 = arith.constant 1073741824 : i32
    %broadcast_in_dim3A_101 = vector.broadcast %jit3A_100 : i32 to vector<1024x1024xi32>
    %select_n3A_102 = arith.select %eq3A_99, %iota3A_97, %broadcast_in_dim3A_101 : vector<1024x1024xi1>, vector<1024x1024xi32>
    %reduce_min3A_103 = arith.constant dense<2147483647> : vector<1024xi32>
    %reduce_min3A_104 = vector.multi_reduction <minsi>, %select_n3A_102, %reduce_min3A_103 [0] : vector<1024x1024xi32> to vector<1024xi32>
    %broadcast_in_dim3A_105 = vector.shape_cast %reduce_min3A_104 : vector<1024xi32> to vector<1x1024xi32>
    %add3A_106 = arith.constant 2048 : i32
    %add3A_107 = vector.broadcast %add3A_106 : i32 to vector<1x1024xi32>
    %add3A_108 = arith.addi %broadcast_in_dim3A_105, %add3A_107 : vector<1x1024xi32>
    %lt3A_109 = arith.cmpf olt, %broadcast_in_dim3A_96, %select_n3A_78 : vector<1x1024xf32>
    %select_n3A_110 = arith.select %lt3A_109, %broadcast_in_dim3A_96, %select_n3A_78 : vector<1x1024xi1>, vector<1x1024xf32>
    %select_n3A_111 = arith.select %lt3A_109, %add3A_108, %select_n3A_79 : vector<1x1024xi1>, vector<1x1024xi32>
    %get3A_112 = arith.constant 3072 : index
    %get3A_113 = arith.constant 0 : index
    %get3A_114 = vector.load %arg1[%get3A_112, %get3A_113] : memref<8192x256xf32, #tpu.memory_space<vmem>>, vector<1024x256xf32>
    %mul3A_115 = arith.mulf %get3A_114, %get3A_114 : vector<1024x256xf32>
    %reduce_sum3A_116 = arith.constant dense<0.000000e+00> : vector<1024xf32>
    %reduce_sum3A_117 = vector.multi_reduction <add>, %mul3A_115, %reduce_sum3A_116 [1] : vector<1024x256xf32> to vector<1024xf32>
    %broadcast_in_dim3A_118 = vector.shape_cast %reduce_sum3A_117 : vector<1024xf32> to vector<1024x1xf32>
    %convert_element_type3A_119 = arith.truncf %get3A_114 : vector<1024x256xf32> to vector<1024x256xbf16>
    %dot_general3A_120 = arith.constant dense<0.000000e+00> : vector<1024x1024xf32>
    %dot_general3A_121 = tpu.matmul %convert_element_type3A_119, %convert_element_type3A, %dot_general3A_120 {dimension_numbers = #tpu.dot_dimension_numbers<[1], [0], [0], [1], [0, 0, 1, 1], [], []>, transpose_lhs_hint = false} : vector<1024x256xbf16>, vector<256x1024xbf16>, vector<1024x1024xf32> -> vector<1024x1024xf32>
    %add3A_122 = vector.broadcast %add3A_25 : vector<1x1024xf32> to vector<1024x1024xf32>
    %add3A_123 = vector.broadcast %broadcast_in_dim3A_118 : vector<1024x1xf32> to vector<1024x1024xf32>
    %add3A_124 = arith.addf %add3A_122, %add3A_123 : vector<1024x1024xf32>
    %sub3A_125 = arith.subf %add3A_124, %dot_general3A_121 : vector<1024x1024xf32>
    %reduce_min3A_126 = arith.constant dense<0x7F800000> : vector<1024xf32>
    %reduce_min3A_127 = vector.multi_reduction <minimumf>, %sub3A_125, %reduce_min3A_126 [0] : vector<1024x1024xf32> to vector<1024xf32>
    %broadcast_in_dim3A_128 = vector.shape_cast %reduce_min3A_127 : vector<1024xf32> to vector<1x1024xf32>
    %iota3A_129 = tpu.iota {dimensions = array<i32: 0>} : vector<1024x1024xi32>
    %eq3A_130 = vector.broadcast %broadcast_in_dim3A_128 : vector<1x1024xf32> to vector<1024x1024xf32>
    %eq3A_131 = arith.cmpf oeq, %sub3A_125, %eq3A_130 : vector<1024x1024xf32>
    %jit3A_132 = arith.constant 1073741824 : i32
    %broadcast_in_dim3A_133 = vector.broadcast %jit3A_132 : i32 to vector<1024x1024xi32>
    %select_n3A_134 = arith.select %eq3A_131, %iota3A_129, %broadcast_in_dim3A_133 : vector<1024x1024xi1>, vector<1024x1024xi32>
    %reduce_min3A_135 = arith.constant dense<2147483647> : vector<1024xi32>
    %reduce_min3A_136 = vector.multi_reduction <minsi>, %select_n3A_134, %reduce_min3A_135 [0] : vector<1024x1024xi32> to vector<1024xi32>
    %broadcast_in_dim3A_137 = vector.shape_cast %reduce_min3A_136 : vector<1024xi32> to vector<1x1024xi32>
    %add3A_138 = arith.constant 3072 : i32
    %add3A_139 = vector.broadcast %add3A_138 : i32 to vector<1x1024xi32>
    %add3A_140 = arith.addi %broadcast_in_dim3A_137, %add3A_139 : vector<1x1024xi32>
    %lt3A_141 = arith.cmpf olt, %broadcast_in_dim3A_128, %select_n3A_110 : vector<1x1024xf32>
    %select_n3A_142 = arith.select %lt3A_141, %broadcast_in_dim3A_128, %select_n3A_110 : vector<1x1024xi1>, vector<1x1024xf32>
    %select_n3A_143 = arith.select %lt3A_141, %add3A_140, %select_n3A_111 : vector<1x1024xi1>, vector<1x1024xi32>
    %convert_element_type3A_144 = arith.truncf %select_n3A_142 : vector<1x1024xf32> to vector<1x1024xbf16>
    %convert_element_type3A_145 = arith.extf %convert_element_type3A_144 : vector<1x1024xbf16> to vector<1x1024xf32>
    %get3A_146 = arith.constant 4096 : index
    %get3A_147 = arith.constant 0 : index
    %get3A_148 = vector.load %arg1[%get3A_146, %get3A_147] : memref<8192x256xf32, #tpu.memory_space<vmem>>, vector<1024x256xf32>
    %mul3A_149 = arith.mulf %get3A_148, %get3A_148 : vector<1024x256xf32>
    %reduce_sum3A_150 = arith.constant dense<0.000000e+00> : vector<1024xf32>
    %reduce_sum3A_151 = vector.multi_reduction <add>, %mul3A_149, %reduce_sum3A_150 [1] : vector<1024x256xf32> to vector<1024xf32>
    %broadcast_in_dim3A_152 = vector.shape_cast %reduce_sum3A_151 : vector<1024xf32> to vector<1024x1xf32>
    %convert_element_type3A_153 = arith.truncf %get3A_148 : vector<1024x256xf32> to vector<1024x256xbf16>
    %dot_general3A_154 = arith.constant dense<0.000000e+00> : vector<1024x1024xf32>
    %dot_general3A_155 = tpu.matmul %convert_element_type3A_153, %convert_element_type3A, %dot_general3A_154 {dimension_numbers = #tpu.dot_dimension_numbers<[1], [0], [0], [1], [0, 0, 1, 1], [], []>, transpose_lhs_hint = false} : vector<1024x256xbf16>, vector<256x1024xbf16>, vector<1024x1024xf32> -> vector<1024x1024xf32>
    %add3A_156 = vector.broadcast %add3A_25 : vector<1x1024xf32> to vector<1024x1024xf32>
    %add3A_157 = vector.broadcast %broadcast_in_dim3A_152 : vector<1024x1xf32> to vector<1024x1024xf32>
    %add3A_158 = arith.addf %add3A_156, %add3A_157 : vector<1024x1024xf32>
    %sub3A_159 = arith.subf %add3A_158, %dot_general3A_155 : vector<1024x1024xf32>
    %reduce_min3A_160 = arith.constant dense<0x7F800000> : vector<1024xf32>
    %reduce_min3A_161 = vector.multi_reduction <minimumf>, %sub3A_159, %reduce_min3A_160 [0] : vector<1024x1024xf32> to vector<1024xf32>
    %broadcast_in_dim3A_162 = vector.shape_cast %reduce_min3A_161 : vector<1024xf32> to vector<1x1024xf32>
    %iota3A_163 = tpu.iota {dimensions = array<i32: 0>} : vector<1024x1024xi32>
    %eq3A_164 = vector.broadcast %broadcast_in_dim3A_162 : vector<1x1024xf32> to vector<1024x1024xf32>
    %eq3A_165 = arith.cmpf oeq, %sub3A_159, %eq3A_164 : vector<1024x1024xf32>
    %jit3A_166 = arith.constant 1073741824 : i32
    %broadcast_in_dim3A_167 = vector.broadcast %jit3A_166 : i32 to vector<1024x1024xi32>
    %select_n3A_168 = arith.select %eq3A_165, %iota3A_163, %broadcast_in_dim3A_167 : vector<1024x1024xi1>, vector<1024x1024xi32>
    %reduce_min3A_169 = arith.constant dense<2147483647> : vector<1024xi32>
    %reduce_min3A_170 = vector.multi_reduction <minsi>, %select_n3A_168, %reduce_min3A_169 [0] : vector<1024x1024xi32> to vector<1024xi32>
    %broadcast_in_dim3A_171 = vector.shape_cast %reduce_min3A_170 : vector<1024xi32> to vector<1x1024xi32>
    %add3A_172 = arith.constant 4096 : i32
    %add3A_173 = vector.broadcast %add3A_172 : i32 to vector<1x1024xi32>
    %add3A_174 = arith.addi %broadcast_in_dim3A_171, %add3A_173 : vector<1x1024xi32>
    %get3A_175 = arith.constant 5120 : index
    %get3A_176 = arith.constant 0 : index
    %get3A_177 = vector.load %arg1[%get3A_175, %get3A_176] : memref<8192x256xf32, #tpu.memory_space<vmem>>, vector<1024x256xf32>
    %mul3A_178 = arith.mulf %get3A_177, %get3A_177 : vector<1024x256xf32>
    %reduce_sum3A_179 = arith.constant dense<0.000000e+00> : vector<1024xf32>
    %reduce_sum3A_180 = vector.multi_reduction <add>, %mul3A_178, %reduce_sum3A_179 [1] : vector<1024x256xf32> to vector<1024xf32>
    %broadcast_in_dim3A_181 = vector.shape_cast %reduce_sum3A_180 : vector<1024xf32> to vector<1024x1xf32>
    %convert_element_type3A_182 = arith.truncf %get3A_177 : vector<1024x256xf32> to vector<1024x256xbf16>
    %dot_general3A_183 = arith.constant dense<0.000000e+00> : vector<1024x1024xf32>
    %dot_general3A_184 = tpu.matmul %convert_element_type3A_182, %convert_element_type3A, %dot_general3A_183 {dimension_numbers = #tpu.dot_dimension_numbers<[1], [0], [0], [1], [0, 0, 1, 1], [], []>, transpose_lhs_hint = false} : vector<1024x256xbf16>, vector<256x1024xbf16>, vector<1024x1024xf32> -> vector<1024x1024xf32>
    %add3A_185 = vector.broadcast %add3A_25 : vector<1x1024xf32> to vector<1024x1024xf32>
    %add3A_186 = vector.broadcast %broadcast_in_dim3A_181 : vector<1024x1xf32> to vector<1024x1024xf32>
    %add3A_187 = arith.addf %add3A_185, %add3A_186 : vector<1024x1024xf32>
    %sub3A_188 = arith.subf %add3A_187, %dot_general3A_184 : vector<1024x1024xf32>
    %reduce_min3A_189 = arith.constant dense<0x7F800000> : vector<1024xf32>
    %reduce_min3A_190 = vector.multi_reduction <minimumf>, %sub3A_188, %reduce_min3A_189 [0] : vector<1024x1024xf32> to vector<1024xf32>
    %broadcast_in_dim3A_191 = vector.shape_cast %reduce_min3A_190 : vector<1024xf32> to vector<1x1024xf32>
    %iota3A_192 = tpu.iota {dimensions = array<i32: 0>} : vector<1024x1024xi32>
    %eq3A_193 = vector.broadcast %broadcast_in_dim3A_191 : vector<1x1024xf32> to vector<1024x1024xf32>
    %eq3A_194 = arith.cmpf oeq, %sub3A_188, %eq3A_193 : vector<1024x1024xf32>
    %jit3A_195 = arith.constant 1073741824 : i32
    %broadcast_in_dim3A_196 = vector.broadcast %jit3A_195 : i32 to vector<1024x1024xi32>
    %select_n3A_197 = arith.select %eq3A_194, %iota3A_192, %broadcast_in_dim3A_196 : vector<1024x1024xi1>, vector<1024x1024xi32>
    %reduce_min3A_198 = arith.constant dense<2147483647> : vector<1024xi32>
    %reduce_min3A_199 = vector.multi_reduction <minsi>, %select_n3A_197, %reduce_min3A_198 [0] : vector<1024x1024xi32> to vector<1024xi32>
    %broadcast_in_dim3A_200 = vector.shape_cast %reduce_min3A_199 : vector<1024xi32> to vector<1x1024xi32>
    %add3A_201 = arith.constant 5120 : i32
    %add3A_202 = vector.broadcast %add3A_201 : i32 to vector<1x1024xi32>
    %add3A_203 = arith.addi %broadcast_in_dim3A_200, %add3A_202 : vector<1x1024xi32>
    %lt3A_204 = arith.cmpf olt, %broadcast_in_dim3A_191, %broadcast_in_dim3A_162 : vector<1x1024xf32>
    %select_n3A_205 = arith.select %lt3A_204, %broadcast_in_dim3A_191, %broadcast_in_dim3A_162 : vector<1x1024xi1>, vector<1x1024xf32>
    %select_n3A_206 = arith.select %lt3A_204, %add3A_203, %add3A_174 : vector<1x1024xi1>, vector<1x1024xi32>
    %get3A_207 = arith.constant 6144 : index
    %get3A_208 = arith.constant 0 : index
    %get3A_209 = vector.load %arg1[%get3A_207, %get3A_208] : memref<8192x256xf32, #tpu.memory_space<vmem>>, vector<1024x256xf32>
    %mul3A_210 = arith.mulf %get3A_209, %get3A_209 : vector<1024x256xf32>
    %reduce_sum3A_211 = arith.constant dense<0.000000e+00> : vector<1024xf32>
    %reduce_sum3A_212 = vector.multi_reduction <add>, %mul3A_210, %reduce_sum3A_211 [1] : vector<1024x256xf32> to vector<1024xf32>
    %broadcast_in_dim3A_213 = vector.shape_cast %reduce_sum3A_212 : vector<1024xf32> to vector<1024x1xf32>
    %convert_element_type3A_214 = arith.truncf %get3A_209 : vector<1024x256xf32> to vector<1024x256xbf16>
    %dot_general3A_215 = arith.constant dense<0.000000e+00> : vector<1024x1024xf32>
    %dot_general3A_216 = tpu.matmul %convert_element_type3A_214, %convert_element_type3A, %dot_general3A_215 {dimension_numbers = #tpu.dot_dimension_numbers<[1], [0], [0], [1], [0, 0, 1, 1], [], []>, transpose_lhs_hint = false} : vector<1024x256xbf16>, vector<256x1024xbf16>, vector<1024x1024xf32> -> vector<1024x1024xf32>
    %add3A_217 = vector.broadcast %add3A_25 : vector<1x1024xf32> to vector<1024x1024xf32>
    %add3A_218 = vector.broadcast %broadcast_in_dim3A_213 : vector<1024x1xf32> to vector<1024x1024xf32>
    %add3A_219 = arith.addf %add3A_217, %add3A_218 : vector<1024x1024xf32>
    %sub3A_220 = arith.subf %add3A_219, %dot_general3A_216 : vector<1024x1024xf32>
    %reduce_min3A_221 = arith.constant dense<0x7F800000> : vector<1024xf32>
    %reduce_min3A_222 = vector.multi_reduction <minimumf>, %sub3A_220, %reduce_min3A_221 [0] : vector<1024x1024xf32> to vector<1024xf32>
    %broadcast_in_dim3A_223 = vector.shape_cast %reduce_min3A_222 : vector<1024xf32> to vector<1x1024xf32>
    %iota3A_224 = tpu.iota {dimensions = array<i32: 0>} : vector<1024x1024xi32>
    %eq3A_225 = vector.broadcast %broadcast_in_dim3A_223 : vector<1x1024xf32> to vector<1024x1024xf32>
    %eq3A_226 = arith.cmpf oeq, %sub3A_220, %eq3A_225 : vector<1024x1024xf32>
    %jit3A_227 = arith.constant 1073741824 : i32
    %broadcast_in_dim3A_228 = vector.broadcast %jit3A_227 : i32 to vector<1024x1024xi32>
    %select_n3A_229 = arith.select %eq3A_226, %iota3A_224, %broadcast_in_dim3A_228 : vector<1024x1024xi1>, vector<1024x1024xi32>
    %reduce_min3A_230 = arith.constant dense<2147483647> : vector<1024xi32>
    %reduce_min3A_231 = vector.multi_reduction <minsi>, %select_n3A_229, %reduce_min3A_230 [0] : vector<1024x1024xi32> to vector<1024xi32>
    %broadcast_in_dim3A_232 = vector.shape_cast %reduce_min3A_231 : vector<1024xi32> to vector<1x1024xi32>
    %add3A_233 = arith.constant 6144 : i32
    %add3A_234 = vector.broadcast %add3A_233 : i32 to vector<1x1024xi32>
    %add3A_235 = arith.addi %broadcast_in_dim3A_232, %add3A_234 : vector<1x1024xi32>
    %lt3A_236 = arith.cmpf olt, %broadcast_in_dim3A_223, %select_n3A_205 : vector<1x1024xf32>
    %select_n3A_237 = arith.select %lt3A_236, %broadcast_in_dim3A_223, %select_n3A_205 : vector<1x1024xi1>, vector<1x1024xf32>
    %select_n3A_238 = arith.select %lt3A_236, %add3A_235, %select_n3A_206 : vector<1x1024xi1>, vector<1x1024xi32>
    %get3A_239 = arith.constant 7168 : index
    %get3A_240 = arith.constant 0 : index
    %get3A_241 = vector.load %arg1[%get3A_239, %get3A_240] : memref<8192x256xf32, #tpu.memory_space<vmem>>, vector<1024x256xf32>
    %mul3A_242 = arith.mulf %get3A_241, %get3A_241 : vector<1024x256xf32>
    %reduce_sum3A_243 = arith.constant dense<0.000000e+00> : vector<1024xf32>
    %reduce_sum3A_244 = vector.multi_reduction <add>, %mul3A_242, %reduce_sum3A_243 [1] : vector<1024x256xf32> to vector<1024xf32>
    %broadcast_in_dim3A_245 = vector.shape_cast %reduce_sum3A_244 : vector<1024xf32> to vector<1024x1xf32>
    %convert_element_type3A_246 = arith.truncf %get3A_241 : vector<1024x256xf32> to vector<1024x256xbf16>
    %dot_general3A_247 = arith.constant dense<0.000000e+00> : vector<1024x1024xf32>
    %dot_general3A_248 = tpu.matmul %convert_element_type3A_246, %convert_element_type3A, %dot_general3A_247 {dimension_numbers = #tpu.dot_dimension_numbers<[1], [0], [0], [1], [0, 0, 1, 1], [], []>, transpose_lhs_hint = false} : vector<1024x256xbf16>, vector<256x1024xbf16>, vector<1024x1024xf32> -> vector<1024x1024xf32>
    %add3A_249 = vector.broadcast %add3A_25 : vector<1x1024xf32> to vector<1024x1024xf32>
    %add3A_250 = vector.broadcast %broadcast_in_dim3A_245 : vector<1024x1xf32> to vector<1024x1024xf32>
    %add3A_251 = arith.addf %add3A_249, %add3A_250 : vector<1024x1024xf32>
    %sub3A_252 = arith.subf %add3A_251, %dot_general3A_248 : vector<1024x1024xf32>
    %reduce_min3A_253 = arith.constant dense<0x7F800000> : vector<1024xf32>
    %reduce_min3A_254 = vector.multi_reduction <minimumf>, %sub3A_252, %reduce_min3A_253 [0] : vector<1024x1024xf32> to vector<1024xf32>
    %broadcast_in_dim3A_255 = vector.shape_cast %reduce_min3A_254 : vector<1024xf32> to vector<1x1024xf32>
    %iota3A_256 = tpu.iota {dimensions = array<i32: 0>} : vector<1024x1024xi32>
    %eq3A_257 = vector.broadcast %broadcast_in_dim3A_255 : vector<1x1024xf32> to vector<1024x1024xf32>
    %eq3A_258 = arith.cmpf oeq, %sub3A_252, %eq3A_257 : vector<1024x1024xf32>
    %jit3A_259 = arith.constant 1073741824 : i32
    %broadcast_in_dim3A_260 = vector.broadcast %jit3A_259 : i32 to vector<1024x1024xi32>
    %select_n3A_261 = arith.select %eq3A_258, %iota3A_256, %broadcast_in_dim3A_260 : vector<1024x1024xi1>, vector<1024x1024xi32>
    %reduce_min3A_262 = arith.constant dense<2147483647> : vector<1024xi32>
    %reduce_min3A_263 = vector.multi_reduction <minsi>, %select_n3A_261, %reduce_min3A_262 [0] : vector<1024x1024xi32> to vector<1024xi32>
    %broadcast_in_dim3A_264 = vector.shape_cast %reduce_min3A_263 : vector<1024xi32> to vector<1x1024xi32>
    %add3A_265 = arith.constant 7168 : i32
    %add3A_266 = vector.broadcast %add3A_265 : i32 to vector<1x1024xi32>
    %add3A_267 = arith.addi %broadcast_in_dim3A_264, %add3A_266 : vector<1x1024xi32>
    %lt3A_268 = arith.cmpf olt, %broadcast_in_dim3A_255, %select_n3A_237 : vector<1x1024xf32>
    %select_n3A_269 = arith.select %lt3A_268, %broadcast_in_dim3A_255, %select_n3A_237 : vector<1x1024xi1>, vector<1x1024xf32>
    %select_n3A_270 = arith.select %lt3A_268, %add3A_267, %select_n3A_238 : vector<1x1024xi1>, vector<1x1024xi32>
    %lt3A_271 = arith.cmpf olt, %select_n3A_269, %convert_element_type3A_145 : vector<1x1024xf32>
    %select_n3A_272 = arith.select %lt3A_271, %select_n3A_270, %select_n3A_143 : vector<1x1024xi1>, vector<1x1024xi32>
    %swap3A = arith.constant 0 : index
    %swap3A_273 = arith.constant 0 : index
    %swap3A_274 = arith.constant 0 : index
    %swap3A_275 = vector.load %arg3[%swap3A, %swap3A_273, %swap3A_274] : memref<1x1x1024xi32, #tpu.memory_space<vmem>>, vector<1x1x1024xi32>
    %swap3A_276 = vector.shape_cast %swap3A_275 : vector<1x1x1024xi32> to vector<1x1024xi32>
    %swap3A_277 = vector.shape_cast %select_n3A_272 : vector<1x1024xi32> to vector<1x1x1024xi32>
    tpu.vector_store %arg3[%swap3A, %swap3A_273, %swap3A_274], %swap3A_277 {strides = array<i32>} : memref<1x1x1024xi32, #tpu.memory_space<vmem>>, vector<1x1x1024xi32>,
    return
  }
  func.func @transform_0(%arg0: i32) -> (i32, i32) {
    %c0_i32 = arith.constant 0 : i32
    %c0_i32_0 = arith.constant 0 : i32
    %c0_i32_1 = arith.constant 0 : i32
    return %c0_i32, %c0_i32_0 : i32, i32
  }
  func.func @transform_1(%arg0: i32) -> (i32, i32, i32) {
    %c0_i32 = arith.constant 0 : i32
    %c0_i32_0 = arith.constant 0 : i32
    %c0_i32_1 = arith.constant 0 : i32
    return %arg0, %c0_i32, %c0_i32_0 : i32, i32, i32
  }
  func.func @transform_2(%arg0: i32) -> (i32, i32, i32) {
    %c0_i32 = arith.constant 0 : i32
    %c0_i32_0 = arith.constant 0 : i32
    %c0_i32_1 = arith.constant 0 : i32
    return %arg0, %c0_i32, %c0_i32_0 : i32, i32, i32
  }
}

</mosaic_0001>

<sc_bundles>
// kernel: kernel.5.cloned.1.call-start
scs
__scs_entry_jumppad:
0x0: {  	(pc) =	sbr.rel $0x88, $3  }
0x1: {  	(tag) =	ssettag $0x0;
	lr =	simm.s32 $0x1  }
0x2: {  	[smem:$0x3F9F] =	sst lr;
	_ =	strace $0xD0000000  }
0x3: {  	_ = 	snop  }
0x4: {  	_ = 	snop  }
0x5: {  	_ = 	snop  }
0x6: {  	_ = 	snop  }
0x7: {  	_ = 	snop  }
__scs_overlays_trampoline_lowered:
0x8: {  	[smem:$0x3FAE] =	sst s0  }
0x9: {  	[smem:$0x3FAF] =	sst s1  }
0xa: {  	[smem:$0x3FB0] =	sst s2  }
0xb: {  	[smem:$0x3FB1] =	sst s3  }
0xc: {  	[smem:$0x3FB2] =	sst s4  }
0xd: {  	[smem:$0x3FB3] =	sst s5  }
0xe: {  	[smem:$0x3FB4] =	sst s6  }
0xf: {  	[smem:$0x3FB5] =	sst s7  }
0x10: {  	[smem:$0x3FB6] =	sst s8  }
0x11: {  	[smem:$0x3FB7] =	sst s9;
	s0 =	simm.s32 @!p0 $0x0  }
0x12: {  	s1 =	sld [smem:$0x3F9D];
	s0 =	simm.s32 @p0 $0x1  }
0x13: {  	[smem:$0x3FB8] =	sst s0;
	s0 =	simm.s32 @!p1 $0x0  }
0x14: {  	s2 =	sld [smem:$0x3F9C];
	s0 =	simm.s32 @p1 $0x1  }
0x15: {  	[smem:$0x3FB9] =	sst s0;
	s0 =	simm.s32 @!p2 $0x0  }
0x16: {  	s3 =	sld [smem:$0x3FDB];
	s0 =	simm.s32 @p2 $0x1  }
0x17: {  	s4 =	simm.s32 $0x1BF5;
	[smem:$0x3FBB] =	sst s0  }
0x18: {  	s0 =	sld [smem:$0x3F9E];
	_ =	swait.ge [sflag:s4], $0x0  }
0x19: {  	s7 =	sld [smem:$0x3F9F]  }
0x1a: {  	s8 =	sadd.s32 $0xFFFFE003, lr  }
0x1b: {  	s9 =	sadd.s32 $0xFFFFFEF7, lr;
	s5 =	simm.s32 $0xFFFFFFFF;
	p2 =	slt.u32 s8, $0xFFFFF086  }
0x1c: {  	p1 =	slt.u32 s9, $0xF7A;
	s5 =	simm.s32 @!p2 $0x0  }
0x1d: {  	s5 =	simm.s32 @p1 $0x1;
	p0 =	seq.s32 s7, s2  }
0x1e: {  	s7 =	smul.u32 @!p0 $0xF7A, s2;
	p2 =	seq.s32 @!p0 s5, $0x0  }
0x1f: {  	s9 =	smul.u32 $0xF7A, s1;
	s8 =	simm.s32 @!p0 $0x1BF5;
	p2 =	por !p2, p0  }
0x20: {  	[sflag:s8] =	ssyncset.s32 @!p0 $0xFFFFF086;
	s6 =	sadd.s32 @!p0 s3, s7;
	s7 =	simm.s32 @!p0 $0x108  }
0x21: {  	s3 =	sadd.s32 s3, s9;
	s6 =	sadd.s32 @!p0 $0x88, s6;
	s7 =	simm.s32 @p2 $0x1082  }
0x22: {  	[simem:s7], [sflag:s8] =	dma.local @!p0 [hbm:s6], $0xF7A  }
0x23: {  	s9 =	sor.u32 $0xD0000000, s2;
	s6 =	simm.s32 $0x108;
	_ =	swait.ge @!p0 [sflag:s8], $0x0  }
0x24: {  	s3 =	sadd.s32 $0x88, s3;
	s6 =	simm.s32 @!p1 $0x1082;
	[sflag:s4] =	ssyncset.s32 $0xFFFFF086  }
0x25: {  	[simem:s6], [sflag:s4] =	dma.local [hbm:s3], $0xF7A  }
0x26: {  	[smem:$0x3F9F] =	sst s1;
	(tag) =	ssettag s2;
	_ =	strace s9  }
0x27: {  	s1 =	sld [smem:$0x3FAF]  }
0x28: {  	s2 =	sld [smem:$0x3FB0]  }
0x29: {  	s4 =	sld [smem:$0x3FB2]  }
0x2a: {  	p0 =	seq.s32 s5, $0x0;
	s5 =	sld [smem:$0x3FB3]  }
0x2b: {  	s6 =	sld [smem:$0x3FB4]  }
0x2c: {  	s7 =	sld [smem:$0x3FB5]  }
0x2d: {  	s3 =	simm.s32 $0x108;
	s8 =	sld [smem:$0x3FB6]  }
0x2e: {  	s3 =	simm.s32 @!p0 $0x1082;
	s9 =	sld [smem:$0x3FB7]  }
0x2f: {  	lr =	sadd.s32 s0, s3;
	s0 =	sld [smem:$0x3FAE]  }
0x30: {  	s3 =	sld [smem:$0x3FB1]  }
0x31: {  	[smem:$0x3FBA] =	sst s10  }
0x32: {  	s10 =	sld [smem:$0x3FB8];
	_ =	sdelay $0x3  }
0x33: {  	p0 =	seq.s32 s10, $0x1;
	s10 =	sld [smem:$0x3FBA];
	_ =	sdelay $0x3  }
0x34: {  	[smem:$0x3FBA] =	sst s10  }
0x35: {  	s10 =	sld [smem:$0x3FB9];
	_ =	sdelay $0x3  }
0x36: {  	p1 =	seq.s32 s10, $0x1;
	s10 =	sld [smem:$0x3FBA];
	_ =	sdelay $0x3  }
0x37: {  	[smem:$0x3FBA] =	sst s10  }
0x38: {  	s10 =	sld [smem:$0x3FBB]  }
0x39: {  	_ = 	snop;
	(pc) =	sbr.ind lr, $3  }
0x3a: {  	_ = 	snop  }
0x3b: {  	_ = 	snop  }
0x3c: {  	p2 =	seq.s32 s10, $0x1;
	s10 =	sld [smem:$0x3FBA]  }
0x3d: {  	_ =	shalt  }
0x3e: {  	_ =	shalt  }
0x3f: {  	_ =	shalt  }
0x40: {  	_ =	shalt  }
0x41: {  	_ =	shalt  }
0x42: {  	_ =	shalt  }
0x43: {  	_ =	shalt  }
0x44: {  	_ =	shalt  }
0x45: {  	_ =	shalt  }
0x46: {  	_ =	shalt  }
0x47: {  	_ =	shalt  }
0x48: {  	_ =	shalt  }
0x49: {  	_ =	shalt  }
0x4a: {  	_ =	shalt  }
0x4b: {  	_ =	shalt  }
0x4c: {  	_ =	shalt  }
0x4d: {  	_ =	shalt  }
0x4e: {  	_ =	shalt  }
0x4f: {  	_ =	shalt  }
0x50: {  	_ =	shalt  }
0x51: {  	_ =	shalt  }
0x52: {  	_ =	shalt  }
0x53: {  	_ =	shalt  }
0x54: {  	_ =	shalt  }
0x55: {  	_ =	shalt  }
0x56: {  	_ =	shalt  }
0x57: {  	_ =	shalt  }
0x58: {  	_ =	shalt  }
0x59: {  	_ =	shalt  }
0x5a: {  	_ =	shalt  }
0x5b: {  	_ =	shalt  }
0x5c: {  	_ =	shalt  }
0x5d: {  	_ =	shalt  }
0x5e: {  	_ =	shalt  }
0x5f: {  	_ =	shalt  }
0x60: {  	_ =	shalt  }
0x61: {  	_ =	shalt  }
0x62: {  	_ =	shalt  }
0x63: {  	_ =	shalt  }
0x64: {  	_ =	shalt  }
0x65: {  	_ =	shalt  }
0x66: {  	_ =	shalt  }
0x67: {  	_ =	shalt  }
0x68: {  	_ =	shalt  }
0x69: {  	_ =	shalt  }
0x6a: {  	_ =	shalt  }
0x6b: {  	_ =	shalt  }
0x6c: {  	_ =	shalt  }
0x6d: {  	_ =	shalt  }
0x6e: {  	_ =	shalt  }
0x6f: {  	_ =	shalt  }
0x70: {  	_ =	shalt  }
0x71: {  	_ =	shalt  }
0x72: {  	_ =	shalt  }
0x73: {  	_ =	shalt  }
0x74: {  	_ =	shalt  }
0x75: {  	_ =	shalt  }
0x76: {  	_ =	shalt  }
0x77: {  	_ =	shalt  }
0x78: {  	_ =	shalt  }
0x79: {  	_ =	shalt  }
0x7a: {  	_ =	shalt  }
0x7b: {  	_ =	shalt  }
0x7c: {  	_ =	shalt  }
0x7d: {  	_ =	shalt  }
0x7e: {  	_ =	shalt  }
0x7f: {  	_ =	shalt  }
0x80: {  	_ =	shalt  }
0x81: {  	_ =	shalt  }
0x82: {  	_ =	shalt  }
0x83: {  	_ =	shalt  }
0x84: {  	_ =	shalt  }
0x85: {  	_ =	shalt  }
0x86: {  	_ =	shalt  }
0x87: {  	_ =	shalt  }
.Lfunc_end0:
.L_simem_size_0:
called_computation_lowered:
.L_overlay_start_0:
0x88: {  	s2 =	sld [smem:$0x3FD9]  }
0x89: {  	s3 =	sld [smem:$0x3FFE];
	_ =	sdelay $0x1  }
0x8a: {  	s1 =	srdreg.scid  }
0x8b: {  	s0 =	sand.u32 $0x1, s1  }
0x8c: {  	s14 =	sshll.u32 s0, $0xA;
	s2 =	sadd.s32 s3, s2  }
0x8d: {  	s2 =	sadd.s32 s2, s14  }
0x8e: {  	[smem:$0x3FC6] =	sst s2  }
0x8f: {  	_ = 	snop  }
0x90: {  	s2 =	sld [smem:$0x3FD0];
	_ =	sdelay $0x2  }
0x91: {  	s4 =	simm.s32 $0xA;
	s5 =	simm.s32 $0x10;
	s15 =	sld [smem:$0x3FC8]  }
0x92: {  	[smem:s5], [sflag:s4] =	dma.local [hbm:s2], $0x1  }
0x93: {  	_ =	swait.eq [sflag:s4], $0x1  }
0x94: {  	[sflag:s4] =	ssyncset.done $0x0  }
0x95: {  	[sflag:s4] =	ssyncadd.s32 $0xFFFFFFFF  }
0x96: {  	s16 =	sld [smem:$0x12];
	(tm) =	ssettm $0x1  }
0x97: {  	s17 =	sld [smem:$0x3FFB];
	_ =	sdelay $0x3  }
0x98: {  	_ =	strace s17  }
0x99: {  	s4 =	sld [smem:$0x3FFC];
	_ =	sdelay $0x3  }
0x9a: {  	_ =	strace s4  }
0x9b: {  	s4 =	sld [smem:$0x3FFD];
	_ =	sdelay $0x3  }
0x9c: {  	_ =	strace s4  }
0x9d: {  	_ =	strace $0x8FFFFFFF  }
0x9e: {  	s18 =	sld [smem:$0x3FDB];
	_ =	sdelay $0x1  }
0x9f: {  	s19 =	simm.s32 $_scs_section_size  }
0xa0: {  	s6 =	simm.s32 $_size__tile_overlayer_lowered;
	s7 =	simm.s32 $_tile_overlayer_lowered  }
0xa1: {  	s22 =	simm.s32 $0x1BFF;
	s21 =	sshll.u32 s7, $0x1;
	s4 =	sadd.s32 s19, s18  }
0xa2: {  	s8 =	simm.s32 $0x0;
	s20 =	sshll.u32 s6, $0x1;
	s6 =	sadd.s32 s21, s4  }
0xa3: {  	[timem:s8], [sflag:s22] =	dma.local [hbm:s6], s20  }
0xa4: {  	_ =	swait.ge [sflag:s22], s20  }
0xa5: {  	s5 =	ssub.s32 $0x0, s20;
	[sflag:s22] =	ssyncset.done $0x0  }
0xa6: {  	[sflag:s22] =	ssyncadd.s32 s5;
	_ =	sdelay $0x1  }
0xa7: {  	s23 =	simm.s32 $0x1B8B  }
0xa8: {  	_ =	swait.ge [sflag:s23], $0x1  }
0xa9: {  	[sflag:s23] =	ssyncset.done $0x0  }
0xaa: {  	s25 =	simm.s32 $0x1B8E;
	s24 =	sld [smem:$0x3FFE];
	[sflag:s23] =	ssyncadd.s32 $0xFFFFFFFF  }
0xab: {  	s26 =	simm.s32 $execute0_lowered;
	[smem:$0x3FD2] =	sst s25  }
0xac: {  	s6 =	sshll.u32 s26, $0x1;
	_ =	strace $0x80000046;
	[dreg:$0x1] =	wrdreg $0xFFFFFFFF  }
0xad: {  	s28 =	simm.s32 $_size_execute0_lowered;
	s4 =	sadd.s32 s4, s6;
	[dreg:$0x0] =	wrdreg $0x0  }
0xae: {  	s6 =	sshll.u32 s28, $0x1;
	[dreg:$0x2] =	wrdreg s4  }
0xaf: {  	[dreg:$0x3] =	wrdreg s6  }
0xb0: {  	[dreg:$0x4] =	wrdreg $0xC0  }
0xb1: {  	_ =	task [dreg:s8], $0x5FFFF  }
0xb2: {  	[dreg:$0x1] =	wrdreg $0xFFFFFFFF  }
0xb3: {  	[dreg:$0x0] =	wrdreg $0x60  }
0xb4: {  	[dreg:$0x2] =	wrdreg s15  }
0xb5: {  	[dreg:$0x3] =	wrdreg s16  }
0xb6: {  	[dreg:$0x4] =	wrdreg s24  }
0xb7: {  	[dreg:$0x5] =	wrdreg $0x9  }
0xb8: {  	_ =	task.clear_ibuf [dreg:s8], $0x6FFFF;
	_ =	strace $0x90000046  }
0xb9: {  	s29 =	simm.s32 $0x9;
	_ =	strace $0x80000048  }
0xba: {  	_ =	swait.ge [sflag:s29], $0x1  }
0xbb: {  	[sflag:s29] =	ssyncadd.s32 $0xFFFFFFFF  }
0xbc: {  	_ =	strace $0x90000048  }
0xbd: {  	_ =	sfence  }
0xbe: {  	s30 =	sld [smem:$0x0];
	_ =	sdelay $0x2  }
0xbf: {  	s31 =	sshll.u32 s1, $0xD;
	s1 =	sshrl.u32 s1, $0x2  }
0xc0: {  	s3 =	sand.u32 $0x4000, s31;
	s1 =	sadd.s32 s1, s30  }
0xc1: {  	s0 =	sor.u32 s3, s0;
	s1 =	sshll.u32 s1, $0x11  }
0xc2: {  	s0 =	sor.u32 s1, s0  }
0xc3: {  	s0 =	sadd.s32 $0x8F2B, s0  }
0xc4: {  	[sflag:s0] =	ssyncadd.remote.s32 $0x1  }
0xc5: {  	_ =	sfence.sel $0xFFFF  }
0xc6: {  	[dreg:$0x0] =	wrdreg $0xFFFFFFFF;
	(pc) =	sbr.abs _section_cstart, $3  }
0xc7: {  	[dreg:$0x1] =	wrdreg $0xFFFFFFFF  }
0xc8: {  	_ =	task.clear_ibuf [dreg:s8], $0x2FFFF;
	_ =	strace $0x9FFFFFFF  }
0xc9: {  	(tm) =	ssettm $0x7FFFFFFF  }
tec
execute0_lowered:
.L_overlay_start_1:
0x0: {  	(tag) =	ssettag $0x1  }
0x1: {  	s1 =	rddreg [dreg:$0x0]  }
0x2: {  	s6 =	rddreg [dreg:$0x1]  }
0x3: {  	s4 =	rddreg [dreg:$0x2]  }
0x4: {  	s0 =	rddreg [dreg:$0x3];
	s3 =	simm.s32 $0x0;
	s5 =	srdreg.scid  }
0x5: {  	s2 =	stileid.u32;
	s11 =	simm.s32 $0x880;
	s12 =	simm.s32 $0x1080  }
0x6: {  	s13 =	simm.s32 $0x1880;
	s14 =	simm.s32 $0x2080;
	s15 =	simm.s32 $0x2880  }
0x7: {  	s16 =	simm.s32 $0x3080;
	s17 =	simm.s32 $0x3880;
	s18 =	simm.s32 $0x4080  }
0x8: {  	s19 =	simm.s32 $0x4880;
	s20 =	simm.s32 $0x5080;
	s21 =	simm.s32 $0x5880  }
0x9: {  	s22 =	simm.s32 $0x6080;
	s23 =	simm.s32 $0x6880;
	s24 =	simm.s32 $0x7080  }
0xa: {  	s25 =	simm.s32 $0x7880;
	s26 =	simm.s32 $0x1;
	s5 =	sand.u32 $0x1, s5  }
0xb: {  	[smem:$0x7FF] =	sst s3;
	s8 =	sshll.u32 s2, $0x9;
	s7 =	ssub.s32 $0x2, s5  }
0xc: {  	s28 =	sadd.s32 $0xC00, s4;
	s5 =	sshll.u32 s5, $0x8;
	s9 =	sshrl.u32 s7, $0x1  }
0xd: {  	_ =	strace $0x80000047;
	s5 =	sor.u32 s5, s8;
	s9 =	ssub.s32 s7, s9  }
0xe: {  	s29 =	sshrl.u32 s5, $0x3;
	s30 =	sshll.u32 s5, $0x5;
	s10 =	sor.u32 $0x80, s5  }
0xf: {  	v2 =	vlaneseq.u32;
	s4 =	sadd.s32 s6, s29;
	s5 =	sadd.s32 s28, s30;
	s31 =	sshrl.u32 s10, $0x3  }
0x10: {  	vm0 =	vmmov $0xffff;
	v1 =	vshrl.u32 v2, $0x3;
	s10 =	sshll.u32 s10, $0x5;
	s8 =	smax.u32 s9, $0x1;
	s9 =	simm.s32 $0x2  }
0x11: {  	v0 =	vand.u32 $0x7, v2;
	v2 =	vor.u32 $0x8, v2;
	v1 =	vmul.u32 $0x8, v1;
	s6 =	sadd.s32 s6, s31;
	s7 =	sadd.s32 s28, s10;
	s10 =	simm.s32 $0x80  }
.LBB2_1:
0x12: {  	[tilespmem:s3], [sflag:$0x2] =	stream.linear.gather [hbm4b:s4+s3], $0x80, $0x38;
	[tilespmem:$0x8080] =	vst v63  }
0x13: {  	_ =	swait.ge [sflag:s9], $0x80  }
0x14: {  	[sflag:s9] =	ssyncset.done $0x0  }
0x15: {  	[sflag:s9] =	ssyncadd.s32 $0xFFFFFF80  }
0x16: {  	v3 =	vld [tilespmem:$0x0];
	_ =	sdelay $0x4  }
0x17: {  	v4 =	vshll.u32 v3, $0x1  }
0x18: {  	v3 =	vand.u32 $0x7, v3;
	v4 =	vand.u32 $0xFFFFFFF0, v4  }
0x19: {  	v3 =	vor.u32 v3, v4  }
0x1a: {  	v4 =	vperm.xlane v3, v0;
	_ =	sdelay $0x1  }
0x1b: {  	v3 =	vperm.xlane v3, v2;
	v4 =	vadd.s32 v1, v4;
	_ =	sdelay $0x1  }
0x1c: {  	v3 =	vadd.s32 v1, v3;
	_ =	sdelay $0x2  }
0x1d: {  	[tilespmem:s10], [sflag:$0x1] =	stream.indirect_vreg.gather [hbm4b:s1+s3], $0x80, v4, vm0, $0xb8;
	[tilespmem:$0x8080] =	vst v63  }
0x1e: {  	_ = 	snop  }
0x1f: {  	[tilespmem:s11], [sflag:$0x1] =	stream.indirect_vreg.gather [hbm4b:s1+s3], $0x80, v3, vm0, $0xb8;
	[tilespmem:$0x8080] =	vst v63  }
0x20: {  	v3 =	vld [tilespmem:$0x10];
	_ =	sdelay $0x4  }
0x21: {  	v49 =	vshll.u32 v3, $0x1  }
0x22: {  	v3 =	vand.u32 $0x7, v3;
	v4 =	vand.u32 $0xFFFFFFF0, v49  }
0x23: {  	v3 =	vor.u32 v3, v4  }
0x24: {  	v4 =	vperm.xlane v3, v0;
	_ =	sdelay $0x1  }
0x25: {  	v3 =	vperm.xlane v3, v2;
	v4 =	vadd.s32 v1, v4;
	_ =	sdelay $0x1  }
0x26: {  	v3 =	vadd.s32 v1, v3;
	_ =	sdelay $0x2  }
0x27: {  	[tilespmem:s12], [sflag:$0x1] =	stream.indirect_vreg.gather [hbm4b:s1+s3], $0x80, v4, vm0, $0xb8;
	[tilespmem:$0x8080] =	vst v63  }
0x28: {  	_ = 	snop  }
0x29: {  	[tilespmem:s13], [sflag:$0x1] =	stream.indirect_vreg.gather [hbm4b:s1+s3], $0x80, v3, vm0, $0xb8;
	[tilespmem:$0x8080] =	vst v63  }
0x2a: {  	v3 =	vld [tilespmem:$0x20];
	_ =	sdelay $0x4  }
0x2b: {  	v50 =	vshll.u32 v3, $0x1  }
0x2c: {  	v3 =	vand.u32 $0x7, v3;
	v4 =	vand.u32 $0xFFFFFFF0, v50  }
0x2d: {  	v3 =	vor.u32 v3, v4  }
0x2e: {  	v4 =	vperm.xlane v3, v0;
	_ =	sdelay $0x1  }
0x2f: {  	v3 =	vperm.xlane v3, v2;
	v4 =	vadd.s32 v1, v4;
	_ =	sdelay $0x1  }
0x30: {  	v3 =	vadd.s32 v1, v3;
	_ =	sdelay $0x2  }
0x31: {  	[tilespmem:s14], [sflag:$0x1] =	stream.indirect_vreg.gather [hbm4b:s1+s3], $0x80, v4, vm0, $0xb8;
	[tilespmem:$0x8080] =	vst v63  }
0x32: {  	_ = 	snop  }
0x33: {  	[tilespmem:s15], [sflag:$0x1] =	stream.indirect_vreg.gather [hbm4b:s1+s3], $0x80, v3, vm0, $0xb8;
	[tilespmem:$0x8080] =	vst v63  }
0x34: {  	v3 =	vld [tilespmem:$0x30];
	_ =	sdelay $0x4  }
0x35: {  	v51 =	vshll.u32 v3, $0x1  }
0x36: {  	v3 =	vand.u32 $0x7, v3;
	v4 =	vand.u32 $0xFFFFFFF0, v51  }
0x37: {  	v3 =	vor.u32 v3, v4  }
0x38: {  	v4 =	vperm.xlane v3, v0;
	_ =	sdelay $0x1  }
0x39: {  	v3 =	vperm.xlane v3, v2;
	v4 =	vadd.s32 v1, v4;
	_ =	sdelay $0x1  }
0x3a: {  	v3 =	vadd.s32 v1, v3;
	_ =	sdelay $0x2  }
0x3b: {  	[tilespmem:s16], [sflag:$0x1] =	stream.indirect_vreg.gather [hbm4b:s1+s3], $0x80, v4, vm0, $0xb8;
	[tilespmem:$0x8080] =	vst v63  }
0x3c: {  	_ = 	snop  }
0x3d: {  	[tilespmem:s17], [sflag:$0x1] =	stream.indirect_vreg.gather [hbm4b:s1+s3], $0x80, v3, vm0, $0xb8;
	[tilespmem:$0x8080] =	vst v63  }
0x3e: {  	v3 =	vld [tilespmem:$0x40];
	_ =	sdelay $0x4  }
0x3f: {  	v52 =	vshll.u32 v3, $0x1  }
0x40: {  	v3 =	vand.u32 $0x7, v3;
	v4 =	vand.u32 $0xFFFFFFF0, v52  }
0x41: {  	v3 =	vor.u32 v3, v4  }
0x42: {  	v4 =	vperm.xlane v3, v0;
	_ =	sdelay $0x1  }
0x43: {  	v3 =	vperm.xlane v3, v2;
	v4 =	vadd.s32 v1, v4;
	_ =	sdelay $0x1  }
0x44: {  	v3 =	vadd.s32 v1, v3;
	_ =	sdelay $0x2  }
0x45: {  	[tilespmem:s18], [sflag:$0x1] =	stream.indirect_vreg.gather [hbm4b:s1+s3], $0x80, v4, vm0, $0xb8;
	[tilespmem:$0x8080] =	vst v63  }
0x46: {  	_ = 	snop  }
0x47: {  	[tilespmem:s19], [sflag:$0x1] =	stream.indirect_vreg.gather [hbm4b:s1+s3], $0x80, v3, vm0, $0xb8;
	[tilespmem:$0x8080] =	vst v63  }
0x48: {  	v3 =	vld [tilespmem:$0x50];
	_ =	sdelay $0x4  }
0x49: {  	v53 =	vshll.u32 v3, $0x1  }
0x4a: {  	v3 =	vand.u32 $0x7, v3;
	v4 =	vand.u32 $0xFFFFFFF0, v53  }
0x4b: {  	v3 =	vor.u32 v3, v4  }
0x4c: {  	v4 =	vperm.xlane v3, v0;
	_ =	sdelay $0x1  }
0x4d: {  	v3 =	vperm.xlane v3, v2;
	v4 =	vadd.s32 v1, v4;
	_ =	sdelay $0x1  }
0x4e: {  	v3 =	vadd.s32 v1, v3;
	_ =	sdelay $0x2  }
0x4f: {  	[tilespmem:s20], [sflag:$0x1] =	stream.indirect_vreg.gather [hbm4b:s1+s3], $0x80, v4, vm0, $0xb8;
	[tilespmem:$0x8080] =	vst v63  }
0x50: {  	_ = 	snop  }
0x51: {  	[tilespmem:s21], [sflag:$0x1] =	stream.indirect_vreg.gather [hbm4b:s1+s3], $0x80, v3, vm0, $0xb8;
	[tilespmem:$0x8080] =	vst v63  }
0x52: {  	v3 =	vld [tilespmem:$0x60];
	_ =	sdelay $0x4  }
0x53: {  	v54 =	vshll.u32 v3, $0x1  }
0x54: {  	v3 =	vand.u32 $0x7, v3;
	v4 =	vand.u32 $0xFFFFFFF0, v54  }
0x55: {  	v3 =	vor.u32 v3, v4  }
0x56: {  	v4 =	vperm.xlane v3, v0;
	_ =	sdelay $0x1  }
0x57: {  	v3 =	vperm.xlane v3, v2;
	v4 =	vadd.s32 v1, v4;
	_ =	sdelay $0x1  }
0x58: {  	v3 =	vadd.s32 v1, v3;
	_ =	sdelay $0x2  }
0x59: {  	[tilespmem:s22], [sflag:$0x1] =	stream.indirect_vreg.gather [hbm4b:s1+s3], $0x80, v4, vm0, $0xb8;
	[tilespmem:$0x8080] =	vst v63  }
0x5a: {  	_ = 	snop  }
0x5b: {  	[tilespmem:s23], [sflag:$0x1] =	stream.indirect_vreg.gather [hbm4b:s1+s3], $0x80, v3, vm0, $0xb8;
	[tilespmem:$0x8080] =	vst v63  }
0x5c: {  	v3 =	vld [tilespmem:$0x70];
	_ =	sdelay $0x4  }
0x5d: {  	v55 =	vshll.u32 v3, $0x1  }
0x5e: {  	v3 =	vand.u32 $0x7, v3;
	v4 =	vand.u32 $0xFFFFFFF0, v55  }
0x5f: {  	v3 =	vor.u32 v3, v4  }
0x60: {  	v4 =	vperm.xlane v3, v0;
	_ =	sdelay $0x1  }
0x61: {  	v3 =	vperm.xlane v3, v2;
	v4 =	vadd.s32 v1, v4;
	_ =	sdelay $0x1  }
0x62: {  	v3 =	vadd.s32 v1, v3;
	_ =	sdelay $0x2  }
0x63: {  	[tilespmem:s24], [sflag:$0x1] =	stream.indirect_vreg.gather [hbm4b:s1+s3], $0x80, v4, vm0, $0xb8;
	[tilespmem:$0x8080] =	vst v63  }
0x64: {  	_ = 	snop  }
0x65: {  	[tilespmem:s25], [sflag:$0x1] =	stream.indirect_vreg.gather [hbm4b:s1+s3], $0x80, v3, vm0, $0xb8;
	[tilespmem:$0x8080] =	vst v63  }
0x66: {  	_ =	swait.ge [sflag:s26], $0x8000  }
0x67: {  	[sflag:s26] =	ssyncset.done $0x0  }
0x68: {  	[sflag:s26] =	ssyncadd.s32 $0xFFFF8000  }
0x69: {  	[hbm4b:s5+s3] =	stream.linear.scatter [tilespmem:s10], [sflag:$0x2], $0x8000, $0x38;
	[tilespmem:$0x8080] =	vst v63  }
0x6a: {  	_ =	swait.ge [sflag:s9], $0x8000  }
0x6b: {  	[sflag:s9] =	ssyncset.done $0x0  }
0x6c: {  	[sflag:s9] =	ssyncadd.s32 $0xFFFF8000  }
0x6d: {  	[tilespmem:s3], [sflag:$0x2] =	stream.linear.gather [hbm4b:s6+s3], $0x80, $0x38;
	[tilespmem:$0x8080] =	vst v63  }
0x6e: {  	_ =	swait.ge [sflag:s9], $0x80  }
0x6f: {  	[sflag:s9] =	ssyncset.done $0x0  }
0x70: {  	[sflag:s9] =	ssyncadd.s32 $0xFFFFFF80  }
0x71: {  	v3 =	vld [tilespmem:$0x0];
	_ =	sdelay $0x4  }
0x72: {  	v56 =	vshll.u32 v3, $0x1  }
0x73: {  	v3 =	vand.u32 $0x7, v3;
	v4 =	vand.u32 $0xFFFFFFF0, v56  }
0x74: {  	v3 =	vor.u32 v3, v4  }
0x75: {  	v4 =	vperm.xlane v3, v0;
	_ =	sdelay $0x1  }
0x76: {  	v3 =	vperm.xlane v3, v2;
	v4 =	vadd.s32 v1, v4;
	_ =	sdelay $0x1  }
0x77: {  	v3 =	vadd.s32 v1, v3;
	_ =	sdelay $0x2  }
0x78: {  	[tilespmem:s10], [sflag:$0x1] =	stream.indirect_vreg.gather [hbm4b:s1+s3], $0x80, v4, vm0, $0xb8;
	[tilespmem:$0x8080] =	vst v63  }
0x79: {  	_ = 	snop  }
0x7a: {  	[tilespmem:s11], [sflag:$0x1] =	stream.indirect_vreg.gather [hbm4b:s1+s3], $0x80, v3, vm0, $0xb8;
	[tilespmem:$0x8080] =	vst v63  }
0x7b: {  	v3 =	vld [tilespmem:$0x10];
	_ =	sdelay $0x4  }
0x7c: {  	v57 =	vshll.u32 v3, $0x1  }
0x7d: {  	v3 =	vand.u32 $0x7, v3;
	v4 =	vand.u32 $0xFFFFFFF0, v57  }
0x7e: {  	v3 =	vor.u32 v3, v4  }
0x7f: {  	v4 =	vperm.xlane v3, v0;
	_ =	sdelay $0x1  }
0x80: {  	v3 =	vperm.xlane v3, v2;
	v4 =	vadd.s32 v1, v4;
	_ =	sdelay $0x1  }
0x81: {  	v3 =	vadd.s32 v1, v3;
	_ =	sdelay $0x2  }
0x82: {  	[tilespmem:s12], [sflag:$0x1] =	stream.indirect_vreg.gather [hbm4b:s1+s3], $0x80, v4, vm0, $0xb8;
	[tilespmem:$0x8080] =	vst v63  }
0x83: {  	_ = 	snop  }
0x84: {  	[tilespmem:s13], [sflag:$0x1] =	stream.indirect_vreg.gather [hbm4b:s1+s3], $0x80, v3, vm0, $0xb8;
	[tilespmem:$0x8080] =	vst v63  }
0x85: {  	v3 =	vld [tilespmem:$0x20];
	_ =	sdelay $0x4  }
0x86: {  	v58 =	vshll.u32 v3, $0x1  }
0x87: {  	v3 =	vand.u32 $0x7, v3;
	v4 =	vand.u32 $0xFFFFFFF0, v58  }
0x88: {  	v3 =	vor.u32 v3, v4  }
0x89: {  	v4 =	vperm.xlane v3, v0;
	_ =	sdelay $0x1  }
0x8a: {  	v3 =	vperm.xlane v3, v2;
	v4 =	vadd.s32 v1, v4;
	_ =	sdelay $0x1  }
0x8b: {  	v3 =	vadd.s32 v1, v3;
	_ =	sdelay $0x2  }
0x8c: {  	[tilespmem:s14], [sflag:$0x1] =	stream.indirect_vreg.gather [hbm4b:s1+s3], $0x80, v4, vm0, $0xb8;
	[tilespmem:$0x8080] =	vst v63  }
0x8d: {  	_ = 	snop  }
0x8e: {  	[tilespmem:s15], [sflag:$0x1] =	stream.indirect_vreg.gather [hbm4b:s1+s3], $0x80, v3, vm0, $0xb8;
	[tilespmem:$0x8080] =	vst v63  }
0x8f: {  	v3 =	vld [tilespmem:$0x30];
	_ =	sdelay $0x4  }
0x90: {  	v59 =	vshll.u32 v3, $0x1  }
0x91: {  	v3 =	vand.u32 $0x7, v3;
	v4 =	vand.u32 $0xFFFFFFF0, v59  }
0x92: {  	v3 =	vor.u32 v3, v4  }
0x93: {  	v4 =	vperm.xlane v3, v0;
	_ =	sdelay $0x1  }
0x94: {  	v3 =	vperm.xlane v3, v2;
	v4 =	vadd.s32 v1, v4;
	_ =	sdelay $0x1  }
0x95: {  	v3 =	vadd.s32 v1, v3;
	_ =	sdelay $0x2  }
0x96: {  	[tilespmem:s16], [sflag:$0x1] =	stream.indirect_vreg.gather [hbm4b:s1+s3], $0x80, v4, vm0, $0xb8;
	[tilespmem:$0x8080] =	vst v63  }
0x97: {  	_ = 	snop  }
0x98: {  	[tilespmem:s17], [sflag:$0x1] =	stream.indirect_vreg.gather [hbm4b:s1+s3], $0x80, v3, vm0, $0xb8;
	[tilespmem:$0x8080] =	vst v63  }
0x99: {  	v3 =	vld [tilespmem:$0x40];
	_ =	sdelay $0x4  }
0x9a: {  	v60 =	vshll.u32 v3, $0x1  }
0x9b: {  	v3 =	vand.u32 $0x7, v3;
	v4 =	vand.u32 $0xFFFFFFF0, v60  }
0x9c: {  	v3 =	vor.u32 v3, v4  }
0x9d: {  	v4 =	vperm.xlane v3, v0;
	_ =	sdelay $0x1  }
0x9e: {  	v3 =	vperm.xlane v3, v2;
	v4 =	vadd.s32 v1, v4;
	_ =	sdelay $0x1  }
0x9f: {  	v3 =	vadd.s32 v1, v3;
	_ =	sdelay $0x2  }
0xa0: {  	[tilespmem:s18], [sflag:$0x1] =	stream.indirect_vreg.gather [hbm4b:s1+s3], $0x80, v4, vm0, $0xb8;
	[tilespmem:$0x8080] =	vst v63  }
0xa1: {  	_ = 	snop  }
0xa2: {  	[tilespmem:s19], [sflag:$0x1] =	stream.indirect_vreg.gather [hbm4b:s1+s3], $0x80, v3, vm0, $0xb8;
	[tilespmem:$0x8080] =	vst v63  }
0xa3: {  	v3 =	vld [tilespmem:$0x50];
	_ =	sdelay $0x4  }
0xa4: {  	v61 =	vshll.u32 v3, $0x1  }
0xa5: {  	v3 =	vand.u32 $0x7, v3;
	v4 =	vand.u32 $0xFFFFFFF0, v61  }
0xa6: {  	v3 =	vor.u32 v3, v4  }
0xa7: {  	v4 =	vperm.xlane v3, v0;
	_ =	sdelay $0x1  }
0xa8: {  	v3 =	vperm.xlane v3, v2;
	v4 =	vadd.s32 v1, v4;
	_ =	sdelay $0x1  }
0xa9: {  	v3 =	vadd.s32 v1, v3;
	_ =	sdelay $0x2  }
0xaa: {  	[tilespmem:s20], [sflag:$0x1] =	stream.indirect_vreg.gather [hbm4b:s1+s3], $0x80, v4, vm0, $0xb8;
	[tilespmem:$0x8080] =	vst v63  }
0xab: {  	_ = 	snop  }
0xac: {  	[tilespmem:s21], [sflag:$0x1] =	stream.indirect_vreg.gather [hbm4b:s1+s3], $0x80, v3, vm0, $0xb8;
	[tilespmem:$0x8080] =	vst v63  }
0xad: {  	v3 =	vld [tilespmem:$0x60];
	_ =	sdelay $0x4  }
0xae: {  	v62 =	vshll.u32 v3, $0x1  }
0xaf: {  	v3 =	vand.u32 $0x7, v3;
	v4 =	vand.u32 $0xFFFFFFF0, v62  }
0xb0: {  	v3 =	vor.u32 v3, v4  }
0xb1: {  	v4 =	vperm.xlane v3, v0;
	_ =	sdelay $0x1  }
0xb2: {  	v3 =	vperm.xlane v3, v2;
	v4 =	vadd.s32 v1, v4;
	_ =	sdelay $0x1  }
0xb3: {  	v3 =	vadd.s32 v1, v3;
	_ =	sdelay $0x2  }
0xb4: {  	[tilespmem:s22], [sflag:$0x1] =	stream.indirect_vreg.gather [hbm4b:s1+s3], $0x80, v4, vm0, $0xb8;
	[tilespmem:$0x8080] =	vst v63  }
0xb5: {  	_ = 	snop  }
0xb6: {  	[tilespmem:s23], [sflag:$0x1] =	stream.indirect_vreg.gather [hbm4b:s1+s3], $0x80, v3, vm0, $0xb8;
	[tilespmem:$0x8080] =	vst v63  }
0xb7: {  	v3 =	vld [tilespmem:$0x70];
	_ =	sdelay $0x4  }
0xb8: {  	v63 =	vshll.u32 v3, $0x1  }
0xb9: {  	v3 =	vand.u32 $0x7, v3;
	v4 =	vand.u32 $0xFFFFFFF0, v63  }
0xba: {  	v3 =	vor.u32 v3, v4  }
0xbb: {  	v4 =	vperm.xlane v3, v0;
	_ =	sdelay $0x1  }
0xbc: {  	v3 =	vperm.xlane v3, v2;
	v4 =	vadd.s32 v1, v4;
	_ =	sdelay $0x1  }
0xbd: {  	v3 =	vadd.s32 v1, v3;
	_ =	sdelay $0x2  }
0xbe: {  	[tilespmem:s24], [sflag:$0x1] =	stream.indirect_vreg.gather [hbm4b:s1+s3], $0x80, v4, vm0, $0xb8;
	[tilespmem:$0x8080] =	vst v63  }
0xbf: {  	_ = 	snop  }
0xc0: {  	[tilespmem:s25], [sflag:$0x1] =	stream.indirect_vreg.gather [hbm4b:s1+s3], $0x80, v3, vm0, $0xb8;
	[tilespmem:$0x8080] =	vst v63  }
0xc1: {  	_ =	swait.ge [sflag:s26], $0x8000  }
0xc2: {  	p0 =	sne.s32 s8, $0x1;
	[sflag:s26] =	ssyncset.done $0x0  }
.Ltmp0:
0xc3: {  	[sflag:s26] =	ssyncadd.s32 $0xFFFF8000;
	(pc) =	sbr.rel @p0 .LBB2_1-.Ltmp0, $4  }
0xc4: {  	[hbm4b:s7+s3] =	stream.linear.scatter [tilespmem:s10], [sflag:$0x2], $0x8000, $0x38;
	[tilespmem:$0x8080] =	vst v63  }
0xc5: {  	_ =	swait.ge [sflag:s9], $0x8000  }
0xc6: {  	[sflag:s9] =	ssyncset.done $0x0  }
0xc7: {  	s8 =	sadd.s32 $0xFFFFFFFF, s8;
	[sflag:s9] =	ssyncadd.s32 $0xFFFF8000  }
0xc8: {  	_ =	sfence.sel $0x180000  }
0xc9: {  	[bflag:$0x0] =	sbarrier.arrive $0xFFFF  }
0xca: {  	p0 =	sne.s32 s2, $0x0;
	_ =	strace $0x90000047  }
0xcb: {  	s0 =	sadd.s32 @!p0 $0x100000, s0;
	[bflag:$0x2] =	sbarrier.arrive $0xFFFF  }
0xcc: {  	[sflag:s0] =	ssyncadd.tile.s32 @!p0 $0x1;
	_ =	shalt  }
.Lfunc_end2:
_tile_overlayer_lowered:
.L_overlay_start_2:
0xcd: {  	(tag) =	ssettag $0x2  }
0xce: {  	s0 =	rddreg [dreg:$0x0];
	s2 =	stileid.u32  }
0xcf: {  	s1 =	rddreg [dreg:$0x1];
	p0 =	sne.s32 s2, $0x0  }
0xd0: {  	s3 =	rddreg [dreg:$0x2];
	[bflag:$0x3] =	sbarrier.arrive $0xFFFF;
	s2 =	simm.s32 @!p0 $0x1C02  }
0xd1: {  	[timem:s3], [sflag:s2] =	dma.local @!p0 [hbm:s0], s1  }
0xd2: {  	s0 =	simm.s32 @!p0 $0x2  }
0xd3: {  	_ =	swait.ge @!p0 [sflag:s0], s1  }
0xd4: {  	s1 =	ssub.s32 @!p0 $0x0, s1;
	[sflag:s0] =	ssyncset.done @!p0 $0x0  }
0xd5: {  	[sflag:s0] =	ssyncadd.s32 @!p0 s1  }
0xd6: {  	[bflag:$0x3] =	sbarrier.arrive $0xFFFF  }
0xd7: {  	_ =	shalt  }

</sc_bundles>
